<compile_context>
chip_gen: v7x
topology: tpu7x:2x2x1
jax: 0.10.2.dev20260603
libtpu: 0.0.44.dev20260713+nightly
codegen_flags: <defaults>
</compile_context>

<pallas_src>
import jax
import jax.numpy as jnp
from jax import lax
from jax.experimental import pallas as pl
from jax.experimental.pallas import tpu as pltpu
from jax.experimental.pallas import tpu_sc as plsc

_RES = 128
_N_RAYS = 65536
_N_SAMPLES = 128
_OCC_THRE = 0.5

_NC = 2
_NS = 16
_NW = _NC * _NS
_RAYS_PER_W = _N_RAYS // _NW
_RAY_BLK = 16
_N_BLKS = _RAYS_PER_W // _RAY_BLK
_WORDS = _RES ** 3 // 32


def _pack_body(occ_ref, out_ref):
    x = occ_ref[...]
    j = lax.broadcasted_iota(jnp.int32, x.shape, 0)
    bits = jnp.where(x > _OCC_THRE, jnp.left_shift(jnp.int32(1), j),
                     jnp.int32(0))
    out_ref[...] = jnp.sum(bits, axis=0)


def _pack_bits(occs):
    occ3 = occs.reshape(32, 512, 128)
    words = pl.pallas_call(
        _pack_body,
        grid=(64,),
        in_specs=[pl.BlockSpec((32, 8, 128), lambda i: (0, i, 0))],
        out_specs=pl.BlockSpec((8, 128), lambda i: (i, 0)),
        out_shape=jax.ShapeDtypeStruct((512, 128), jnp.int32),
    )(occ3)
    return words.reshape(_WORDS)


def _march_body(o_h, d_h, words_h, out_h, bm, ov, dv, stage_a, stage_b,
                sem_a, sem_b):
    wid = lax.axis_index("s") * _NC + lax.axis_index("c")
    ray_base = wid * _RAYS_PER_W

    pltpu.sync_copy(words_h, bm)
    pltpu.sync_copy(o_h.at[:, pl.ds(ray_base, _RAYS_PER_W)], ov)
    pltpu.sync_copy(d_h.at[:, pl.ds(ray_base, _RAYS_PER_W)], dv)

    lane = lax.iota(jnp.int32, 16)
    lane256 = lane * (2 * _N_SAMPLES)

    def ray_block(rb, stage):
        off = pl.multiple_of(rb * _RAY_BLK, _RAY_BLK)
        ox = ov[0, pl.ds(off, 16)]
        oy = ov[1, pl.ds(off, 16)]
        oz = ov[2, pl.ds(off, 16)]
        dx = dv[0, pl.ds(off, 16)]
        dy = dv[1, pl.ds(off, 16)]
        dz = dv[2, pl.ds(off, 16)]

        def safe(d):
            return jnp.where(jnp.abs(d) < 1e-8, jnp.float32(1e-8), d)

        dxs, dys, dzs = safe(dx), safe(dy), safe(dz)
        t1x = (-1.0 - ox) / dxs
        t2x = (1.0 - ox) / dxs
        t1y = (-1.0 - oy) / dys
        t2y = (1.0 - oy) / dys
        t1z = (-1.0 - oz) / dzs
        t2z = (1.0 - oz) / dzs
        tmin = jnp.maximum(jnp.maximum(jnp.minimum(t1x, t2x),
                                       jnp.minimum(t1y, t2y)),
                           jnp.minimum(t1z, t2z))
        tmax = jnp.minimum(jnp.minimum(jnp.maximum(t1x, t2x),
                                       jnp.maximum(t1y, t2y)),
                           jnp.maximum(t1z, t2z))
        tmin = jnp.clip(tmin, 0.0, 1e10)
        tmax = jnp.clip(tmax, 0.0, 1e10)
        valid = tmax > tmin
        span = tmax - tmin

        @plsc.parallel_loop(0, _N_SAMPLES, 1, unroll=4)
        def sample(i):
            sf = i.astype(jnp.float32)
            t_s = tmin + (sf * (1.0 / _N_SAMPLES)) * span
            t_e = tmin + ((sf + 1.0) * (1.0 / _N_SAMPLES)) * span
            t_m = 0.5 * (t_s + t_e)
            px = ox + t_m * dx
            py = oy + t_m * dy
            pz = oz + t_m * dz
            ix = jnp.clip(((px + 1.0) * (0.5 * _RES)).astype(jnp.int32),
                          0, _RES - 1)
            iy = jnp.clip(((py + 1.0) * (0.5 * _RES)).astype(jnp.int32),
                          0, _RES - 1)
            iz = jnp.clip(((pz + 1.0) * (0.5 * _RES)).astype(jnp.int32),
                          0, _RES - 1)
            flat = (ix * _RES + iy) * _RES + iz
            w = jnp.bitwise_and(flat, _WORDS - 1)
            j = lax.shift_right_logical(ix, 2)
            word = plsc.load_gather(bm, [w])
            bit = jnp.bitwise_and(lax.shift_right_logical(word, j), 1)
            m = (bit != 0) & valid
            ts_o = jnp.where(m, t_s, 0.0)
            te_o = jnp.where(m, t_e, 0.0)
            idx = lane256 + i
            plsc.store_scatter(stage, [idx], ts_o)
            plsc.store_scatter(stage, [idx + _N_SAMPLES], te_o)

        return 0

    stage_n = _RAY_BLK * 2 * _N_SAMPLES

    def out_slice(rb):
        flat_base = (ray_base + rb * _RAY_BLK) * (2 * _N_SAMPLES)
        return out_h.at[pl.ds(flat_base, stage_n)]

    def two_blocks(k, _):
        rb_a = k * 2
        rb_b = rb_a + 1

        @pl.when(k > 0)
        def _():
            pltpu.make_async_copy(stage_a, out_slice(rb_a), sem_a).wait()

        ray_block(rb_a, stage_a)
        pltpu.async_copy(stage_a, out_slice(rb_a), sem_a)

        @pl.when(k > 0)
        def _():
            pltpu.make_async_copy(stage_b, out_slice(rb_b), sem_b).wait()

        ray_block(rb_b, stage_b)
        pltpu.async_copy(stage_b, out_slice(rb_b), sem_b)
        return 0

    lax.fori_loop(0, _N_BLKS // 2, two_blocks, 0)
    pltpu.make_async_copy(stage_a, out_slice(_N_BLKS - 2), sem_a).wait()
    pltpu.make_async_copy(stage_b, out_slice(_N_BLKS - 1), sem_b).wait()


@jax.jit
def kernel(rays_o, rays_d, occs):
    words = _pack_bits(occs)
    march = pl.kernel(
        _march_body,
        out_type=jax.ShapeDtypeStruct((_N_RAYS * _N_SAMPLES * 2,),
                                      jnp.float32),
        mesh=plsc.VectorSubcoreMesh(core_axis_name="c",
                                    subcore_axis_name="s"),
        compiler_params=pltpu.CompilerParams(needs_layout_passes=False),
        scratch_types=[
            pltpu.VMEM((_WORDS,), jnp.int32),
            pltpu.VMEM((3, _RAYS_PER_W), jnp.float32),
            pltpu.VMEM((3, _RAYS_PER_W), jnp.float32),
            pltpu.VMEM((_RAY_BLK * _N_SAMPLES * 2,), jnp.float32),
            pltpu.VMEM((_RAY_BLK * _N_SAMPLES * 2,), jnp.float32),
            pltpu.SemaphoreType.DMA,
            pltpu.SemaphoreType.DMA,
        ],
    )
    flat = march(rays_o.T, rays_d.T, words)
    return flat.reshape(_N_RAYS, 2, _N_SAMPLES).swapaxes(1, 2)

# --- scband reference (transcript-rebuilt; emitter-appended) ---
"""Pipeline reference for scband-occ-grid-estimator-1726576856128 (READ-ONLY COPY).

The authoritative reference and input builder live on the scoring server;
editing this copy changes nothing except your own understanding.
"""

import jax, jax.numpy as jnp
import numpy as np

RES = 128
N_RAYS = 65536
N_SAMPLES = 128
AABB_MIN = -1.0
AABB_MAX = 1.0
NEAR = 0.0
FAR = 1e10
OCC_THRE = 0.5


def setup_inputs(seed: int = 0) -> dict:
    key = jax.random.key(seed)
    k1, k2, k3 = jax.random.split(key, 3)
    # ray origins inside the roi_aabb
    rays_o = (jax.random.uniform(k1, (N_RAYS, 3), dtype=jnp.float32) - 0.5) * 1.0
    d = jax.random.normal(k2, (N_RAYS, 3), dtype=jnp.float32)
    rays_d = d / (jnp.linalg.norm(d, axis=-1, keepdims=True) + 1e-8)
    # occupancy grid buffer (levels=1, resolution=128 -> 128^3 cells)
    occs = jax.random.uniform(k3, (RES ** 3,), dtype=jnp.float32)
    return {"rays_o": rays_o, "rays_d": rays_d, "occs": occs}


def reference(rays_o, rays_d, occs):
    # --- ray / aabb intersection (as in nerfacc traverse_grids) ---
    d_safe = jnp.where(jnp.abs(rays_d) < 1e-8, 1e-8, rays_d)
    t1 = (AABB_MIN - rays_o) / d_safe
    t2 = (AABB_MAX - rays_o) / d_safe
    tmin = jnp.max(jnp.minimum(t1, t2), axis=-1)
    tmax = jnp.min(jnp.maximum(t1, t2), axis=-1)
    tmin = jnp.clip(tmin, NEAR, FAR)
    tmax = jnp.clip(tmax, NEAR, FAR)
    valid = tmax > tmin
    # --- march fixed number of samples per ray between tmin/tmax ---
    steps = jnp.arange(N_SAMPLES, dtype=jnp.float32)
    span = (tmax - tmin)[:, None]
    t_starts = tmin[:, None] + (steps / N_SAMPLES)[None, :] * span
    t_ends = tmin[:, None] + ((steps + 1.0) / N_SAMPLES)[None, :] * span
    t_mid = 0.5 * (t_starts + t_ends)
    pos = rays_o[:, None, :] + t_mid[..., None] * rays_d[:, None, :]
    # --- query the occupancy grid (random gather, memory bound) ---
    u = (pos - AABB_MIN) / (AABB_MAX - AABB_MIN)
    idx = jnp.clip(jnp.floor(u * RES).astype(jnp.int32), 0, RES - 1)
    flat = (idx[..., 0] * RES + idx[..., 1]) * RES + idx[..., 2]
    occ_vals = jnp.take(occs, flat)
    occ_binary = occ_vals > OCC_THRE
    mask = occ_binary & valid[:, None]
    t_s = jnp.where(mask, t_starts, 0.0)
    t_e = jnp.where(mask, t_ends, 0.0)
    out = jnp.stack([t_s, t_e], axis=-1)  # [N_RAYS, N_SAMPLES, 2]
    return out

if __name__ == "__main__":
    import jax
    _d = setup_inputs()
    print(jax.jit(kernel)(*tuple(_d.values())))

</pallas_src>

<mosaic_0001>
#map = affine_map<(d0, d1) -> (0, 0)>
#map1 = affine_map<(d0, d1) -> (0)>
module attributes {stable_mosaic.version = 14 : i64} {
  func.func @_march_body(%arg0: i32, %arg1: i32, %arg2: memref<3x65536xf32, #tpu.memory_space<hbm>>, %arg3: memref<3x65536xf32, #tpu.memory_space<hbm>>, %arg4: memref<65536xi32, #tpu.memory_space<hbm>>, %arg5: memref<16777216xf32, #tpu.memory_space<hbm>>, %arg6: memref<65536xi32, #tpu.memory_space<vmem>>, %arg7: memref<3x2048xf32, #tpu.memory_space<vmem>>, %arg8: memref<3x2048xf32, #tpu.memory_space<vmem>>, %arg9: memref<4096xf32, #tpu.memory_space<vmem>>, %arg10: memref<4096xf32, #tpu.memory_space<vmem>>, %arg11: memref<!tpu.dma_semaphore, #tpu.memory_space<semaphore_mem>>, %arg12: memref<!tpu.dma_semaphore, #tpu.memory_space<semaphore_mem>>) attributes {dimension_semantics = [#tpu.dimension_semantics<core_parallel>, #tpu.dimension_semantics<subcore_parallel>], iteration_bounds = array<i64: 2, 16>, scalar_prefetch = 0 : i64, scratch_operands = 7 : i64, tpu.core_type = #tpu.core_type<sc_vector_subcore>, window_params = [{transform_indices = #map}, {transform_indices = #map}, {transform_indices = #map1}, {transform_indices = #map1}]} {
    %mul3A = arith.constant 2 : i32
    %mul3A_0 = arith.muli %arg1, %mul3A : i32
    %add3A = arith.addi %mul3A_0, %arg0 : i32
    %mul3A_1 = arith.constant 2048 : i32
    %mul3A_2 = arith.muli %add3A, %mul3A_1 : i32
    "tpu.region"() ({
      %run_scoped3A = tpu.sem_alloc : memref<!tpu.dma_semaphore, #tpu.memory_space<semaphore_mem>>
      tpu.enqueue_dma source(%arg4 : memref<65536xi32, #tpu.memory_space<hbm>>) target(%arg6 : memref<65536xi32, #tpu.memory_space<vmem>>) target_semaphore(%run_scoped3A : memref<!tpu.dma_semaphore, #tpu.memory_space<semaphore_mem>>)
      tpu.wait_dma2 semaphore(%run_scoped3A : memref<!tpu.dma_semaphore, #tpu.memory_space<semaphore_mem>>) src(%arg4 : memref<65536xi32, #tpu.memory_space<hbm>>) dst(%arg6 : memref<65536xi32, #tpu.memory_space<vmem>>)
      tpu.yield
    }) : () -> ()
    "tpu.region"() ({
      %run_scoped3A = tpu.sem_alloc : memref<!tpu.dma_semaphore, #tpu.memory_space<semaphore_mem>>
      %dma_start3A = arith.constant 0 : i32
      %dma_start3A_23 = tpu.memref_slice %arg2[%dma_start3A, %mul3A_2] : memref<3x65536xf32, #tpu.memory_space<hbm>> -> memref<3x2048xf32, #tpu.memory_space<hbm>>
      %dma_start3A_24 = arith.constant 0 : i32
      %dma_start3A_25 = tpu.memref_slice %arg2[%dma_start3A_24, %mul3A_2] : memref<3x65536xf32, #tpu.memory_space<hbm>> -> memref<3x2048xf32, #tpu.memory_space<hbm>>
      tpu.enqueue_dma source(%dma_start3A_25 : memref<3x2048xf32, #tpu.memory_space<hbm>>) target(%arg7 : memref<3x2048xf32, #tpu.memory_space<vmem>>) target_semaphore(%run_scoped3A : memref<!tpu.dma_semaphore, #tpu.memory_space<semaphore_mem>>)
      %dma_wait3A_26 = arith.constant 0 : i32
      %dma_wait3A_27 = tpu.memref_slice %arg2[%dma_wait3A_26, %mul3A_2] : memref<3x65536xf32, #tpu.memory_space<hbm>> -> memref<3x2048xf32, #tpu.memory_space<hbm>>
      %dma_wait3A_28 = arith.constant 0 : i32
      %dma_wait3A_29 = tpu.memref_slice %arg2[%dma_wait3A_28, %mul3A_2] : memref<3x65536xf32, #tpu.memory_space<hbm>> -> memref<3x2048xf32, #tpu.memory_space<hbm>>
      tpu.wait_dma2 semaphore(%run_scoped3A : memref<!tpu.dma_semaphore, #tpu.memory_space<semaphore_mem>>) src(%dma_wait3A_29 : memref<3x2048xf32, #tpu.memory_space<hbm>>) dst(%arg7 : memref<3x2048xf32, #tpu.memory_space<vmem>>)
      tpu.yield
    }) : () -> ()
    "tpu.region"() ({
      %run_scoped3A = tpu.sem_alloc : memref<!tpu.dma_semaphore, #tpu.memory_space<semaphore_mem>>
      %dma_start3A = arith.constant 0 : i32
      %dma_start3A_23 = tpu.memref_slice %arg3[%dma_start3A, %mul3A_2] : memref<3x65536xf32, #tpu.memory_space<hbm>> -> memref<3x2048xf32, #tpu.memory_space<hbm>>
      %dma_start3A_24 = arith.constant 0 : i32
      %dma_start3A_25 = tpu.memref_slice %arg3[%dma_start3A_24, %mul3A_2] : memref<3x65536xf32, #tpu.memory_space<hbm>> -> memref<3x2048xf32, #tpu.memory_space<hbm>>
      tpu.enqueue_dma source(%dma_start3A_25 : memref<3x2048xf32, #tpu.memory_space<hbm>>) target(%arg8 : memref<3x2048xf32, #tpu.memory_space<vmem>>) target_semaphore(%run_scoped3A : memref<!tpu.dma_semaphore, #tpu.memory_space<semaphore_mem>>)
      %dma_wait3A_26 = arith.constant 0 : i32
      %dma_wait3A_27 = tpu.memref_slice %arg3[%dma_wait3A_26, %mul3A_2] : memref<3x65536xf32, #tpu.memory_space<hbm>> -> memref<3x2048xf32, #tpu.memory_space<hbm>>
      %dma_wait3A_28 = arith.constant 0 : i32
      %dma_wait3A_29 = tpu.memref_slice %arg3[%dma_wait3A_28, %mul3A_2] : memref<3x65536xf32, #tpu.memory_space<hbm>> -> memref<3x2048xf32, #tpu.memory_space<hbm>>
      tpu.wait_dma2 semaphore(%run_scoped3A : memref<!tpu.dma_semaphore, #tpu.memory_space<semaphore_mem>>) src(%dma_wait3A_29 : memref<3x2048xf32, #tpu.memory_space<hbm>>) dst(%arg8 : memref<3x2048xf32, #tpu.memory_space<vmem>>)
      tpu.yield
    }) : () -> ()
    %iota3A = tpu.iota {dimensions = array<i32: 0>} : vector<16xi32>
    %mul3A_3 = arith.constant 256 : i32
    %mul3A_4 = vector.broadcast %mul3A_3 : i32 to vector<16xi32>
    %mul3A_5 = arith.muli %iota3A, %mul3A_4 : vector<16xi32>
    %scan3A = arith.constant 0 : i32
    %scan3A_6 = arith.constant 0 : i32
    %scan3A_7 = arith.constant 64 : i32
    %scan3A_8 = arith.addi %scan3A_6, %scan3A_7 : i32
    %scan3A_9 = arith.constant 1 : i32
    %scan3A_10 = scf.for %scan3A_23 = %scan3A_6 to %scan3A_8 step %scan3A_9 iter_args(%scan3A_24 = %scan3A) -> (i32)  : i32 {
      %mul3A_25 = arith.constant 2 : i32
      %mul3A_26 = arith.muli %scan3A_23, %mul3A_25 : i32
      %add3A_27 = arith.constant 1 : i32
      %add3A_28 = arith.addi %mul3A_26, %add3A_27 : i32
      %gt3A = arith.constant 0 : i32
      %gt3A_29 = arith.cmpi sgt, %scan3A_23, %gt3A : i32
      %convert_element_type3A = arith.extui %gt3A_29 : i1 to i32
      %cond3A = arith.constant 0 : i32
      %cond3A_30 = arith.cmpi ne, %convert_element_type3A, %cond3A : i32
      scf.if %cond3A_30 {
        %mul3A_236 = arith.constant 16 : i32
        %mul3A_237 = arith.muli %mul3A_26, %mul3A_236 : i32
        %add3A_238 = arith.addi %mul3A_2, %mul3A_237 : i32
        %mul3A_239 = arith.constant 256 : i32
        %mul3A_240 = arith.muli %add3A_238, %mul3A_239 : i32
        %dma_wait3A_241 = tpu.memref_slice %arg5[%mul3A_240] : memref<16777216xf32, #tpu.memory_space<hbm>> -> memref<4096xf32, #tpu.memory_space<hbm>>
        %dma_wait3A_242 = tpu.memref_slice %arg5[%mul3A_240] : memref<16777216xf32, #tpu.memory_space<hbm>> -> memref<4096xf32, #tpu.memory_space<hbm>>
        tpu.wait_dma2 semaphore(%arg11 : memref<!tpu.dma_semaphore, #tpu.memory_space<semaphore_mem>>) src(%arg9 : memref<4096xf32, #tpu.memory_space<vmem>>) dst(%dma_wait3A_242 : memref<4096xf32, #tpu.memory_space<hbm>>)
      } else {
      }
      %mul3A_31 = arith.constant 16 : i32
      %mul3A_32 = arith.muli %mul3A_26, %mul3A_31 : i32
      %multiple_of3A = tpu.assume_multiple %mul3A_32, 16 : i32
      %get3A = arith.constant 0 : i32
      %get3A_33 = arith.index_cast %get3A : i32 to index
      %get3A_34 = arith.index_cast %multiple_of3A : i32 to index
      %get3A_35 = tpu.vector_load %arg7[%get3A_33, %get3A_34] {strides = array<i32>} : memref<3x2048xf32, #tpu.memory_space<vmem>>, vector<16xf32>,
      %get3A_36 = arith.constant 1 : i32
      %get3A_37 = arith.index_cast %get3A_36 : i32 to index
      %get3A_38 = arith.index_cast %multiple_of3A : i32 to index
      %get3A_39 = tpu.vector_load %arg7[%get3A_37, %get3A_38] {strides = array<i32>} : memref<3x2048xf32, #tpu.memory_space<vmem>>, vector<16xf32>,
      %get3A_40 = arith.constant 2 : i32
      %get3A_41 = arith.index_cast %get3A_40 : i32 to index
      %get3A_42 = arith.index_cast %multiple_of3A : i32 to index
      %get3A_43 = tpu.vector_load %arg7[%get3A_41, %get3A_42] {strides = array<i32>} : memref<3x2048xf32, #tpu.memory_space<vmem>>, vector<16xf32>,
      %get3A_44 = arith.constant 0 : i32
      %get3A_45 = arith.index_cast %get3A_44 : i32 to index
      %get3A_46 = arith.index_cast %multiple_of3A : i32 to index
      %get3A_47 = tpu.vector_load %arg8[%get3A_45, %get3A_46] {strides = array<i32>} : memref<3x2048xf32, #tpu.memory_space<vmem>>, vector<16xf32>,
      %get3A_48 = arith.constant 1 : i32
      %get3A_49 = arith.index_cast %get3A_48 : i32 to index
      %get3A_50 = arith.index_cast %multiple_of3A : i32 to index
      %get3A_51 = tpu.vector_load %arg8[%get3A_49, %get3A_50] {strides = array<i32>} : memref<3x2048xf32, #tpu.memory_space<vmem>>, vector<16xf32>,
      %get3A_52 = arith.constant 2 : i32
      %get3A_53 = arith.index_cast %get3A_52 : i32 to index
      %get3A_54 = arith.index_cast %multiple_of3A : i32 to index
      %get3A_55 = tpu.vector_load %arg8[%get3A_53, %get3A_54] {strides = array<i32>} : memref<3x2048xf32, #tpu.memory_space<vmem>>, vector<16xf32>,
      %abs3A = math.absf %get3A_47 : vector<16xf32>
      %lt3A = arith.constant 9.99999993E-9 : f32
      %lt3A_56 = vector.broadcast %lt3A : f32 to vector<16xf32>
      %lt3A_57 = arith.cmpf olt, %abs3A, %lt3A_56 : vector<16xf32>
      %jit3A = arith.constant 9.99999993E-9 : f32
      %broadcast_in_dim3A = vector.broadcast %jit3A : f32 to vector<16xf32>
      %select_n3A = arith.select %lt3A_57, %broadcast_in_dim3A, %get3A_47 : vector<16xi1>, vector<16xf32>
      %abs3A_58 = math.absf %get3A_51 : vector<16xf32>
      %lt3A_59 = arith.constant 9.99999993E-9 : f32
      %lt3A_60 = vector.broadcast %lt3A_59 : f32 to vector<16xf32>
      %lt3A_61 = arith.cmpf olt, %abs3A_58, %lt3A_60 : vector<16xf32>
      %jit3A_62 = arith.constant 9.99999993E-9 : f32
      %broadcast_in_dim3A_63 = vector.broadcast %jit3A_62 : f32 to vector<16xf32>
      %select_n3A_64 = arith.select %lt3A_61, %broadcast_in_dim3A_63, %get3A_51 : vector<16xi1>, vector<16xf32>
      %abs3A_65 = math.absf %get3A_55 : vector<16xf32>
      %lt3A_66 = arith.constant 9.99999993E-9 : f32
      %lt3A_67 = vector.broadcast %lt3A_66 : f32 to vector<16xf32>
      %lt3A_68 = arith.cmpf olt, %abs3A_65, %lt3A_67 : vector<16xf32>
      %jit3A_69 = arith.constant 9.99999993E-9 : f32
      %broadcast_in_dim3A_70 = vector.broadcast %jit3A_69 : f32 to vector<16xf32>
      %select_n3A_71 = arith.select %lt3A_68, %broadcast_in_dim3A_70, %get3A_55 : vector<16xi1>, vector<16xf32>
      %sub3A = arith.constant -1.000000e+00 : f32
      %sub3A_72 = vector.broadcast %sub3A : f32 to vector<16xf32>
      %sub3A_73 = arith.subf %sub3A_72, %get3A_35 : vector<16xf32>
      %div3A = arith.divf %sub3A_73, %select_n3A : vector<16xf32>
      %sub3A_74 = arith.constant 1.000000e+00 : f32
      %sub3A_75 = vector.broadcast %sub3A_74 : f32 to vector<16xf32>
      %sub3A_76 = arith.subf %sub3A_75, %get3A_35 : vector<16xf32>
      %div3A_77 = arith.divf %sub3A_76, %select_n3A : vector<16xf32>
      %sub3A_78 = arith.constant -1.000000e+00 : f32
      %sub3A_79 = vector.broadcast %sub3A_78 : f32 to vector<16xf32>
      %sub3A_80 = arith.subf %sub3A_79, %get3A_39 : vector<16xf32>
      %div3A_81 = arith.divf %sub3A_80, %select_n3A_64 : vector<16xf32>
      %sub3A_82 = arith.constant 1.000000e+00 : f32
      %sub3A_83 = vector.broadcast %sub3A_82 : f32 to vector<16xf32>
      %sub3A_84 = arith.subf %sub3A_83, %get3A_39 : vector<16xf32>
      %div3A_85 = arith.divf %sub3A_84, %select_n3A_64 : vector<16xf32>
      %sub3A_86 = arith.constant -1.000000e+00 : f32
      %sub3A_87 = vector.broadcast %sub3A_86 : f32 to vector<16xf32>
      %sub3A_88 = arith.subf %sub3A_87, %get3A_43 : vector<16xf32>
      %div3A_89 = arith.divf %sub3A_88, %select_n3A_71 : vector<16xf32>
      %sub3A_90 = arith.constant 1.000000e+00 : f32
      %sub3A_91 = vector.broadcast %sub3A_90 : f32 to vector<16xf32>
      %sub3A_92 = arith.subf %sub3A_91, %get3A_43 : vector<16xf32>
      %div3A_93 = arith.divf %sub3A_92, %select_n3A_71 : vector<16xf32>
      %min3A = arith.minimumf %div3A, %div3A_77 : vector<16xf32>
      %min3A_94 = arith.minimumf %div3A_81, %div3A_85 : vector<16xf32>
      %max3A = arith.maximumf %min3A, %min3A_94 : vector<16xf32>
      %min3A_95 = arith.minimumf %div3A_89, %div3A_93 : vector<16xf32>
      %max3A_96 = arith.maximumf %max3A, %min3A_95 : vector<16xf32>
      %max3A_97 = arith.maximumf %div3A, %div3A_77 : vector<16xf32>
      %max3A_98 = arith.maximumf %div3A_81, %div3A_85 : vector<16xf32>
      %min3A_99 = arith.minimumf %max3A_97, %max3A_98 : vector<16xf32>
      %max3A_100 = arith.maximumf %div3A_89, %div3A_93 : vector<16xf32>
      %min3A_101 = arith.minimumf %min3A_99, %max3A_100 : vector<16xf32>
      %jit3A_102 = arith.constant 0.000000e+00 : f32
      %jit3A_103 = arith.constant 1.000000e+10 : f32
      %max3A_104 = vector.broadcast %jit3A_102 : f32 to vector<16xf32>
      %max3A_105 = arith.maximumf %max3A_104, %max3A_96 : vector<16xf32>
      %min3A_106 = vector.broadcast %jit3A_103 : f32 to vector<16xf32>
      %min3A_107 = arith.minimumf %min3A_106, %max3A_105 : vector<16xf32>
      %jit3A_108 = arith.constant 0.000000e+00 : f32
      %jit3A_109 = arith.constant 1.000000e+10 : f32
      %max3A_110 = vector.broadcast %jit3A_108 : f32 to vector<16xf32>
      %max3A_111 = arith.maximumf %max3A_110, %min3A_101 : vector<16xf32>
      %min3A_112 = vector.broadcast %jit3A_109 : f32 to vector<16xf32>
      %min3A_113 = arith.minimumf %min3A_112, %max3A_111 : vector<16xf32>
      %gt3A_114 = arith.cmpf ogt, %min3A_113, %min3A_107 : vector<16xf32>
      %sub3A_115 = arith.subf %min3A_113, %min3A_107 : vector<16xf32>
      %parallel_loop3A = arith.constant 0 : i32
      %parallel_loop3A_116 = arith.constant 128 : i32
      %parallel_loop3A_117 = arith.constant 1 : i32
      scf.for %parallel_loop3A_236 = %parallel_loop3A to %parallel_loop3A_116 step %parallel_loop3A_117  : i32 {
        %parallel_loop3A_237 = arith.sitofp %parallel_loop3A_236 : i32 to f32
        %parallel_loop3A_238 = arith.constant 7.812500e-03 : f32
        %parallel_loop3A_239 = arith.mulf %parallel_loop3A_237, %parallel_loop3A_238 : f32
        %parallel_loop3A_240 = vector.broadcast %parallel_loop3A_239 : f32 to vector<16xf32>
        %parallel_loop3A_241 = arith.mulf %parallel_loop3A_240, %sub3A_115 : vector<16xf32>
        %parallel_loop3A_242 = arith.addf %min3A_107, %parallel_loop3A_241 : vector<16xf32>
        %parallel_loop3A_243 = arith.constant 1.000000e+00 : f32
        %parallel_loop3A_244 = arith.addf %parallel_loop3A_237, %parallel_loop3A_243 : f32
        %parallel_loop3A_245 = arith.constant 7.812500e-03 : f32
        %parallel_loop3A_246 = arith.mulf %parallel_loop3A_244, %parallel_loop3A_245 : f32
        %parallel_loop3A_247 = vector.broadcast %parallel_loop3A_246 : f32 to vector<16xf32>
        %parallel_loop3A_248 = arith.mulf %parallel_loop3A_247, %sub3A_115 : vector<16xf32>
        %parallel_loop3A_249 = arith.addf %min3A_107, %parallel_loop3A_248 : vector<16xf32>
        %parallel_loop3A_250 = arith.addf %parallel_loop3A_242, %parallel_loop3A_249 : vector<16xf32>
        %parallel_loop3A_251 = arith.constant 5.000000e-01 : f32
        %parallel_loop3A_252 = vector.broadcast %parallel_loop3A_251 : f32 to vector<16xf32>
        %parallel_loop3A_253 = arith.mulf %parallel_loop3A_252, %parallel_loop3A_250 : vector<16xf32>
        %parallel_loop3A_254 = arith.mulf %parallel_loop3A_253, %get3A_47 : vector<16xf32>
        %parallel_loop3A_255 = arith.addf %get3A_35, %parallel_loop3A_254 : vector<16xf32>
        %parallel_loop3A_256 = arith.mulf %parallel_loop3A_253, %get3A_51 : vector<16xf32>
        %parallel_loop3A_257 = arith.addf %get3A_39, %parallel_loop3A_256 : vector<16xf32>
        %parallel_loop3A_258 = arith.mulf %parallel_loop3A_253, %get3A_55 : vector<16xf32>
        %parallel_loop3A_259 = arith.addf %get3A_43, %parallel_loop3A_258 : vector<16xf32>
        %parallel_loop3A_260 = arith.constant 1.000000e+00 : f32
        %parallel_loop3A_261 = vector.broadcast %parallel_loop3A_260 : f32 to vector<16xf32>
        %parallel_loop3A_262 = arith.addf %parallel_loop3A_255, %parallel_loop3A_261 : vector<16xf32>
        %parallel_loop3A_263 = arith.constant 6.400000e+01 : f32
        %parallel_loop3A_264 = vector.broadcast %parallel_loop3A_263 : f32 to vector<16xf32>
        %parallel_loop3A_265 = arith.mulf %parallel_loop3A_262, %parallel_loop3A_264 : vector<16xf32>
        %parallel_loop3A_266 = arith.fptosi %parallel_loop3A_265 : vector<16xf32> to vector<16xi32>
        %parallel_loop3A_267 = arith.constant 0 : i32
        %parallel_loop3A_268 = arith.constant 127 : i32
        %parallel_loop3A_269 = vector.broadcast %parallel_loop3A_267 : i32 to vector<16xi32>
        %parallel_loop3A_270 = arith.maxsi %parallel_loop3A_269, %parallel_loop3A_266 : vector<16xi32>
        %parallel_loop3A_271 = vector.broadcast %parallel_loop3A_268 : i32 to vector<16xi32>
        %parallel_loop3A_272 = arith.minsi %parallel_loop3A_271, %parallel_loop3A_270 : vector<16xi32>
        %parallel_loop3A_273 = arith.constant 1.000000e+00 : f32
        %parallel_loop3A_274 = vector.broadcast %parallel_loop3A_273 : f32 to vector<16xf32>
        %parallel_loop3A_275 = arith.addf %parallel_loop3A_257, %parallel_loop3A_274 : vector<16xf32>
        %parallel_loop3A_276 = arith.constant 6.400000e+01 : f32
        %parallel_loop3A_277 = vector.broadcast %parallel_loop3A_276 : f32 to vector<16xf32>
        %parallel_loop3A_278 = arith.mulf %parallel_loop3A_275, %parallel_loop3A_277 : vector<16xf32>
        %parallel_loop3A_279 = arith.fptosi %parallel_loop3A_278 : vector<16xf32> to vector<16xi32>
        %parallel_loop3A_280 = arith.constant 0 : i32
        %parallel_loop3A_281 = arith.constant 127 : i32
        %parallel_loop3A_282 = vector.broadcast %parallel_loop3A_280 : i32 to vector<16xi32>
        %parallel_loop3A_283 = arith.maxsi %parallel_loop3A_282, %parallel_loop3A_279 : vector<16xi32>
        %parallel_loop3A_284 = vector.broadcast %parallel_loop3A_281 : i32 to vector<16xi32>
        %parallel_loop3A_285 = arith.minsi %parallel_loop3A_284, %parallel_loop3A_283 : vector<16xi32>
        %parallel_loop3A_286 = arith.constant 1.000000e+00 : f32
        %parallel_loop3A_287 = vector.broadcast %parallel_loop3A_286 : f32 to vector<16xf32>
        %parallel_loop3A_288 = arith.addf %parallel_loop3A_259, %parallel_loop3A_287 : vector<16xf32>
        %parallel_loop3A_289 = arith.constant 6.400000e+01 : f32
        %parallel_loop3A_290 = vector.broadcast %parallel_loop3A_289 : f32 to vector<16xf32>
        %parallel_loop3A_291 = arith.mulf %parallel_loop3A_288, %parallel_loop3A_290 : vector<16xf32>
        %parallel_loop3A_292 = arith.fptosi %parallel_loop3A_291 : vector<16xf32> to vector<16xi32>
        %parallel_loop3A_293 = arith.constant 0 : i32
        %parallel_loop3A_294 = arith.constant 127 : i32
        %parallel_loop3A_295 = vector.broadcast %parallel_loop3A_293 : i32 to vector<16xi32>
        %parallel_loop3A_296 = arith.maxsi %parallel_loop3A_295, %parallel_loop3A_292 : vector<16xi32>
        %parallel_loop3A_297 = vector.broadcast %parallel_loop3A_294 : i32 to vector<16xi32>
        %parallel_loop3A_298 = arith.minsi %parallel_loop3A_297, %parallel_loop3A_296 : vector<16xi32>
        %parallel_loop3A_299 = arith.constant 128 : i32
        %parallel_loop3A_300 = vector.broadcast %parallel_loop3A_299 : i32 to vector<16xi32>
        %parallel_loop3A_301 = arith.muli %parallel_loop3A_272, %parallel_loop3A_300 : vector<16xi32>
        %parallel_loop3A_302 = arith.addi %parallel_loop3A_301, %parallel_loop3A_285 : vector<16xi32>
        %parallel_loop3A_303 = arith.constant 128 : i32
        %parallel_loop3A_304 = vector.broadcast %parallel_loop3A_303 : i32 to vector<16xi32>
        %parallel_loop3A_305 = arith.muli %parallel_loop3A_302, %parallel_loop3A_304 : vector<16xi32>
        %parallel_loop3A_306 = arith.addi %parallel_loop3A_305, %parallel_loop3A_298 : vector<16xi32>
        %parallel_loop3A_307 = arith.constant 65535 : i32
        %parallel_loop3A_308 = vector.broadcast %parallel_loop3A_307 : i32 to vector<16xi32>
        %parallel_loop3A_309 = arith.andi %parallel_loop3A_306, %parallel_loop3A_308 : vector<16xi32>
        %parallel_loop3A_310 = arith.constant 2 : i32
        %parallel_loop3A_311 = vector.broadcast %parallel_loop3A_310 : i32 to vector<16xi32>
        %parallel_loop3A_312 = arith.shrui %parallel_loop3A_272, %parallel_loop3A_311 : vector<16xi32>
        %parallel_loop3A_313 = tpu.vector_load_idx %arg6[%parallel_loop3A_309] : memref<65536xi32, #tpu.memory_space<vmem>>[vector<16xi32>], vector<16xi32>,
        %parallel_loop3A_314 = arith.shrui %parallel_loop3A_313, %parallel_loop3A_312 : vector<16xi32>
        %parallel_loop3A_315 = arith.constant 1 : i32
        %parallel_loop3A_316 = vector.broadcast %parallel_loop3A_315 : i32 to vector<16xi32>
        %parallel_loop3A_317 = arith.andi %parallel_loop3A_314, %parallel_loop3A_316 : vector<16xi32>
        %parallel_loop3A_318 = arith.constant 0 : i32
        %parallel_loop3A_319 = vector.broadcast %parallel_loop3A_318 : i32 to vector<16xi32>
        %parallel_loop3A_320 = arith.cmpi ne, %parallel_loop3A_317, %parallel_loop3A_319 : vector<16xi32>
        %parallel_loop3A_321 = arith.andi %parallel_loop3A_320, %gt3A_114 : vector<16xi1>
        %parallel_loop3A_322 = arith.constant 0.000000e+00 : f32
        %parallel_loop3A_323 = vector.broadcast %parallel_loop3A_322 : f32 to vector<16xf32>
        %parallel_loop3A_324 = arith.select %parallel_loop3A_321, %parallel_loop3A_242, %parallel_loop3A_323 : vector<16xi1>, vector<16xf32>
        %parallel_loop3A_325 = arith.constant 0.000000e+00 : f32
        %parallel_loop3A_326 = vector.broadcast %parallel_loop3A_325 : f32 to vector<16xf32>
        %parallel_loop3A_327 = arith.select %parallel_loop3A_321, %parallel_loop3A_249, %parallel_loop3A_326 : vector<16xi1>, vector<16xf32>
        %parallel_loop3A_328 = vector.broadcast %parallel_loop3A_236 : i32 to vector<16xi32>
        %parallel_loop3A_329 = arith.addi %mul3A_5, %parallel_loop3A_328 : vector<16xi32>
        tpu.vector_store_idx %arg9[%parallel_loop3A_329], %parallel_loop3A_324 : memref<4096xf32, #tpu.memory_space<vmem>>[vector<16xi32>], vector<16xf32>,
        %parallel_loop3A_330 = arith.constant 128 : i32
        %parallel_loop3A_331 = vector.broadcast %parallel_loop3A_330 : i32 to vector<16xi32>
        %parallel_loop3A_332 = arith.addi %parallel_loop3A_329, %parallel_loop3A_331 : vector<16xi32>
        tpu.vector_store_idx %arg9[%parallel_loop3A_332], %parallel_loop3A_327 : memref<4096xf32, #tpu.memory_space<vmem>>[vector<16xi32>], vector<16xf32>,
      } {sc.loop_unroll_factor = 4 : i64, sc.parallel_access}
      %mul3A_118 = arith.constant 16 : i32
      %mul3A_119 = arith.muli %mul3A_26, %mul3A_118 : i32
      %add3A_120 = arith.addi %mul3A_2, %mul3A_119 : i32
      %mul3A_121 = arith.constant 256 : i32
      %mul3A_122 = arith.muli %add3A_120, %mul3A_121 : i32
      %dma_start3A = tpu.memref_slice %arg5[%mul3A_122] : memref<16777216xf32, #tpu.memory_space<hbm>> -> memref<4096xf32, #tpu.memory_space<hbm>>
      %dma_start3A_123 = tpu.memref_slice %arg5[%mul3A_122] : memref<16777216xf32, #tpu.memory_space<hbm>> -> memref<4096xf32, #tpu.memory_space<hbm>>
      tpu.enqueue_dma source(%arg9 : memref<4096xf32, #tpu.memory_space<vmem>>) target(%dma_start3A_123 : memref<4096xf32, #tpu.memory_space<hbm>>) target_semaphore(%arg11 : memref<!tpu.dma_semaphore, #tpu.memory_space<semaphore_mem>>)
      %gt3A_124 = arith.constant 0 : i32
      %gt3A_125 = arith.cmpi sgt, %scan3A_23, %gt3A_124 : i32
      %convert_element_type3A_126 = arith.extui %gt3A_125 : i1 to i32
      %cond3A_127 = arith.constant 0 : i32
      %cond3A_128 = arith.cmpi ne, %convert_element_type3A_126, %cond3A_127 : i32
      scf.if %cond3A_128 {
        %mul3A_236 = arith.constant 16 : i32
        %mul3A_237 = arith.muli %add3A_28, %mul3A_236 : i32
        %add3A_238 = arith.addi %mul3A_2, %mul3A_237 : i32
        %mul3A_239 = arith.constant 256 : i32
        %mul3A_240 = arith.muli %add3A_238, %mul3A_239 : i32
        %dma_wait3A_241 = tpu.memref_slice %arg5[%mul3A_240] : memref<16777216xf32, #tpu.memory_space<hbm>> -> memref<4096xf32, #tpu.memory_space<hbm>>
        %dma_wait3A_242 = tpu.memref_slice %arg5[%mul3A_240] : memref<16777216xf32, #tpu.memory_space<hbm>> -> memref<4096xf32, #tpu.memory_space<hbm>>
        tpu.wait_dma2 semaphore(%arg12 : memref<!tpu.dma_semaphore, #tpu.memory_space<semaphore_mem>>) src(%arg10 : memref<4096xf32, #tpu.memory_space<vmem>>) dst(%dma_wait3A_242 : memref<4096xf32, #tpu.memory_space<hbm>>)
      } else {
      }
      %mul3A_129 = arith.constant 16 : i32
      %mul3A_130 = arith.muli %add3A_28, %mul3A_129 : i32
      %multiple_of3A_131 = tpu.assume_multiple %mul3A_130, 16 : i32
      %get3A_132 = arith.constant 0 : i32
      %get3A_133 = arith.index_cast %get3A_132 : i32 to index
      %get3A_134 = arith.index_cast %multiple_of3A_131 : i32 to index
      %get3A_135 = tpu.vector_load %arg7[%get3A_133, %get3A_134] {strides = array<i32>} : memref<3x2048xf32, #tpu.memory_space<vmem>>, vector<16xf32>,
      %get3A_136 = arith.constant 1 : i32
      %get3A_137 = arith.index_cast %get3A_136 : i32 to index
      %get3A_138 = arith.index_cast %multiple_of3A_131 : i32 to index
      %get3A_139 = tpu.vector_load %arg7[%get3A_137, %get3A_138] {strides = array<i32>} : memref<3x2048xf32, #tpu.memory_space<vmem>>, vector<16xf32>,
      %get3A_140 = arith.constant 2 : i32
      %get3A_141 = arith.index_cast %get3A_140 : i32 to index
      %get3A_142 = arith.index_cast %multiple_of3A_131 : i32 to index
      %get3A_143 = tpu.vector_load %arg7[%get3A_141, %get3A_142] {strides = array<i32>} : memref<3x2048xf32, #tpu.memory_space<vmem>>, vector<16xf32>,
      %get3A_144 = arith.constant 0 : i32
      %get3A_145 = arith.index_cast %get3A_144 : i32 to index
      %get3A_146 = arith.index_cast %multiple_of3A_131 : i32 to index
      %get3A_147 = tpu.vector_load %arg8[%get3A_145, %get3A_146] {strides = array<i32>} : memref<3x2048xf32, #tpu.memory_space<vmem>>, vector<16xf32>,
      %get3A_148 = arith.constant 1 : i32
      %get3A_149 = arith.index_cast %get3A_148 : i32 to index
      %get3A_150 = arith.index_cast %multiple_of3A_131 : i32 to index
      %get3A_151 = tpu.vector_load %arg8[%get3A_149, %get3A_150] {strides = array<i32>} : memref<3x2048xf32, #tpu.memory_space<vmem>>, vector<16xf32>,
      %get3A_152 = arith.constant 2 : i32
      %get3A_153 = arith.index_cast %get3A_152 : i32 to index
      %get3A_154 = arith.index_cast %multiple_of3A_131 : i32 to index
      %get3A_155 = tpu.vector_load %arg8[%get3A_153, %get3A_154] {strides = array<i32>} : memref<3x2048xf32, #tpu.memory_space<vmem>>, vector<16xf32>,
      %abs3A_156 = math.absf %get3A_147 : vector<16xf32>
      %lt3A_157 = arith.constant 9.99999993E-9 : f32
      %lt3A_158 = vector.broadcast %lt3A_157 : f32 to vector<16xf32>
      %lt3A_159 = arith.cmpf olt, %abs3A_156, %lt3A_158 : vector<16xf32>
      %jit3A_160 = arith.constant 9.99999993E-9 : f32
      %broadcast_in_dim3A_161 = vector.broadcast %jit3A_160 : f32 to vector<16xf32>
      %select_n3A_162 = arith.select %lt3A_159, %broadcast_in_dim3A_161, %get3A_147 : vector<16xi1>, vector<16xf32>
      %abs3A_163 = math.absf %get3A_151 : vector<16xf32>
      %lt3A_164 = arith.constant 9.99999993E-9 : f32
      %lt3A_165 = vector.broadcast %lt3A_164 : f32 to vector<16xf32>
      %lt3A_166 = arith.cmpf olt, %abs3A_163, %lt3A_165 : vector<16xf32>
      %jit3A_167 = arith.constant 9.99999993E-9 : f32
      %broadcast_in_dim3A_168 = vector.broadcast %jit3A_167 : f32 to vector<16xf32>
      %select_n3A_169 = arith.select %lt3A_166, %broadcast_in_dim3A_168, %get3A_151 : vector<16xi1>, vector<16xf32>
      %abs3A_170 = math.absf %get3A_155 : vector<16xf32>
      %lt3A_171 = arith.constant 9.99999993E-9 : f32
      %lt3A_172 = vector.broadcast %lt3A_171 : f32 to vector<16xf32>
      %lt3A_173 = arith.cmpf olt, %abs3A_170, %lt3A_172 : vector<16xf32>
      %jit3A_174 = arith.constant 9.99999993E-9 : f32
      %broadcast_in_dim3A_175 = vector.broadcast %jit3A_174 : f32 to vector<16xf32>
      %select_n3A_176 = arith.select %lt3A_173, %broadcast_in_dim3A_175, %get3A_155 : vector<16xi1>, vector<16xf32>
      %sub3A_177 = arith.constant -1.000000e+00 : f32
      %sub3A_178 = vector.broadcast %sub3A_177 : f32 to vector<16xf32>
      %sub3A_179 = arith.subf %sub3A_178, %get3A_135 : vector<16xf32>
      %div3A_180 = arith.divf %sub3A_179, %select_n3A_162 : vector<16xf32>
      %sub3A_181 = arith.constant 1.000000e+00 : f32
      %sub3A_182 = vector.broadcast %sub3A_181 : f32 to vector<16xf32>
      %sub3A_183 = arith.subf %sub3A_182, %get3A_135 : vector<16xf32>
      %div3A_184 = arith.divf %sub3A_183, %select_n3A_162 : vector<16xf32>
      %sub3A_185 = arith.constant -1.000000e+00 : f32
      %sub3A_186 = vector.broadcast %sub3A_185 : f32 to vector<16xf32>
      %sub3A_187 = arith.subf %sub3A_186, %get3A_139 : vector<16xf32>
      %div3A_188 = arith.divf %sub3A_187, %select_n3A_169 : vector<16xf32>
      %sub3A_189 = arith.constant 1.000000e+00 : f32
      %sub3A_190 = vector.broadcast %sub3A_189 : f32 to vector<16xf32>
      %sub3A_191 = arith.subf %sub3A_190, %get3A_139 : vector<16xf32>
      %div3A_192 = arith.divf %sub3A_191, %select_n3A_169 : vector<16xf32>
      %sub3A_193 = arith.constant -1.000000e+00 : f32
      %sub3A_194 = vector.broadcast %sub3A_193 : f32 to vector<16xf32>
      %sub3A_195 = arith.subf %sub3A_194, %get3A_143 : vector<16xf32>
      %div3A_196 = arith.divf %sub3A_195, %select_n3A_176 : vector<16xf32>
      %sub3A_197 = arith.constant 1.000000e+00 : f32
      %sub3A_198 = vector.broadcast %sub3A_197 : f32 to vector<16xf32>
      %sub3A_199 = arith.subf %sub3A_198, %get3A_143 : vector<16xf32>
      %div3A_200 = arith.divf %sub3A_199, %select_n3A_176 : vector<16xf32>
      %min3A_201 = arith.minimumf %div3A_180, %div3A_184 : vector<16xf32>
      %min3A_202 = arith.minimumf %div3A_188, %div3A_192 : vector<16xf32>
      %max3A_203 = arith.maximumf %min3A_201, %min3A_202 : vector<16xf32>
      %min3A_204 = arith.minimumf %div3A_196, %div3A_200 : vector<16xf32>
      %max3A_205 = arith.maximumf %max3A_203, %min3A_204 : vector<16xf32>
      %max3A_206 = arith.maximumf %div3A_180, %div3A_184 : vector<16xf32>
      %max3A_207 = arith.maximumf %div3A_188, %div3A_192 : vector<16xf32>
      %min3A_208 = arith.minimumf %max3A_206, %max3A_207 : vector<16xf32>
      %max3A_209 = arith.maximumf %div3A_196, %div3A_200 : vector<16xf32>
      %min3A_210 = arith.minimumf %min3A_208, %max3A_209 : vector<16xf32>
      %jit3A_211 = arith.constant 0.000000e+00 : f32
      %jit3A_212 = arith.constant 1.000000e+10 : f32
      %max3A_213 = vector.broadcast %jit3A_211 : f32 to vector<16xf32>
      %max3A_214 = arith.maximumf %max3A_213, %max3A_205 : vector<16xf32>
      %min3A_215 = vector.broadcast %jit3A_212 : f32 to vector<16xf32>
      %min3A_216 = arith.minimumf %min3A_215, %max3A_214 : vector<16xf32>
      %jit3A_217 = arith.constant 0.000000e+00 : f32
      %jit3A_218 = arith.constant 1.000000e+10 : f32
      %max3A_219 = vector.broadcast %jit3A_217 : f32 to vector<16xf32>
      %max3A_220 = arith.maximumf %max3A_219, %min3A_210 : vector<16xf32>
      %min3A_221 = vector.broadcast %jit3A_218 : f32 to vector<16xf32>
      %min3A_222 = arith.minimumf %min3A_221, %max3A_220 : vector<16xf32>
      %gt3A_223 = arith.cmpf ogt, %min3A_222, %min3A_216 : vector<16xf32>
      %sub3A_224 = arith.subf %min3A_222, %min3A_216 : vector<16xf32>
      %parallel_loop3A_225 = arith.constant 0 : i32
      %parallel_loop3A_226 = arith.constant 128 : i32
      %parallel_loop3A_227 = arith.constant 1 : i32
      scf.for %parallel_loop3A_236 = %parallel_loop3A_225 to %parallel_loop3A_226 step %parallel_loop3A_227  : i32 {
        %parallel_loop3A_237 = arith.sitofp %parallel_loop3A_236 : i32 to f32
        %parallel_loop3A_238 = arith.constant 7.812500e-03 : f32
        %parallel_loop3A_239 = arith.mulf %parallel_loop3A_237, %parallel_loop3A_238 : f32
        %parallel_loop3A_240 = vector.broadcast %parallel_loop3A_239 : f32 to vector<16xf32>
        %parallel_loop3A_241 = arith.mulf %parallel_loop3A_240, %sub3A_224 : vector<16xf32>
        %parallel_loop3A_242 = arith.addf %min3A_216, %parallel_loop3A_241 : vector<16xf32>
        %parallel_loop3A_243 = arith.constant 1.000000e+00 : f32
        %parallel_loop3A_244 = arith.addf %parallel_loop3A_237, %parallel_loop3A_243 : f32
        %parallel_loop3A_245 = arith.constant 7.812500e-03 : f32
        %parallel_loop3A_246 = arith.mulf %parallel_loop3A_244, %parallel_loop3A_245 : f32
        %parallel_loop3A_247 = vector.broadcast %parallel_loop3A_246 : f32 to vector<16xf32>
        %parallel_loop3A_248 = arith.mulf %parallel_loop3A_247, %sub3A_224 : vector<16xf32>
        %parallel_loop3A_249 = arith.addf %min3A_216, %parallel_loop3A_248 : vector<16xf32>
        %parallel_loop3A_250 = arith.addf %parallel_loop3A_242, %parallel_loop3A_249 : vector<16xf32>
        %parallel_loop3A_251 = arith.constant 5.000000e-01 : f32
        %parallel_loop3A_252 = vector.broadcast %parallel_loop3A_251 : f32 to vector<16xf32>
        %parallel_loop3A_253 = arith.mulf %parallel_loop3A_252, %parallel_loop3A_250 : vector<16xf32>
        %parallel_loop3A_254 = arith.mulf %parallel_loop3A_253, %get3A_147 : vector<16xf32>
        %parallel_loop3A_255 = arith.addf %get3A_135, %parallel_loop3A_254 : vector<16xf32>
        %parallel_loop3A_256 = arith.mulf %parallel_loop3A_253, %get3A_151 : vector<16xf32>
        %parallel_loop3A_257 = arith.addf %get3A_139, %parallel_loop3A_256 : vector<16xf32>
        %parallel_loop3A_258 = arith.mulf %parallel_loop3A_253, %get3A_155 : vector<16xf32>
        %parallel_loop3A_259 = arith.addf %get3A_143, %parallel_loop3A_258 : vector<16xf32>
        %parallel_loop3A_260 = arith.constant 1.000000e+00 : f32
        %parallel_loop3A_261 = vector.broadcast %parallel_loop3A_260 : f32 to vector<16xf32>
        %parallel_loop3A_262 = arith.addf %parallel_loop3A_255, %parallel_loop3A_261 : vector<16xf32>
        %parallel_loop3A_263 = arith.constant 6.400000e+01 : f32
        %parallel_loop3A_264 = vector.broadcast %parallel_loop3A_263 : f32 to vector<16xf32>
        %parallel_loop3A_265 = arith.mulf %parallel_loop3A_262, %parallel_loop3A_264 : vector<16xf32>
        %parallel_loop3A_266 = arith.fptosi %parallel_loop3A_265 : vector<16xf32> to vector<16xi32>
        %parallel_loop3A_267 = arith.constant 0 : i32
        %parallel_loop3A_268 = arith.constant 127 : i32
        %parallel_loop3A_269 = vector.broadcast %parallel_loop3A_267 : i32 to vector<16xi32>
        %parallel_loop3A_270 = arith.maxsi %parallel_loop3A_269, %parallel_loop3A_266 : vector<16xi32>
        %parallel_loop3A_271 = vector.broadcast %parallel_loop3A_268 : i32 to vector<16xi32>
        %parallel_loop3A_272 = arith.minsi %parallel_loop3A_271, %parallel_loop3A_270 : vector<16xi32>
        %parallel_loop3A_273 = arith.constant 1.000000e+00 : f32
        %parallel_loop3A_274 = vector.broadcast %parallel_loop3A_273 : f32 to vector<16xf32>
        %parallel_loop3A_275 = arith.addf %parallel_loop3A_257, %parallel_loop3A_274 : vector<16xf32>
        %parallel_loop3A_276 = arith.constant 6.400000e+01 : f32
        %parallel_loop3A_277 = vector.broadcast %parallel_loop3A_276 : f32 to vector<16xf32>
        %parallel_loop3A_278 = arith.mulf %parallel_loop3A_275, %parallel_loop3A_277 : vector<16xf32>
        %parallel_loop3A_279 = arith.fptosi %parallel_loop3A_278 : vector<16xf32> to vector<16xi32>
        %parallel_loop3A_280 = arith.constant 0 : i32
        %parallel_loop3A_281 = arith.constant 127 : i32
        %parallel_loop3A_282 = vector.broadcast %parallel_loop3A_280 : i32 to vector<16xi32>
        %parallel_loop3A_283 = arith.maxsi %parallel_loop3A_282, %parallel_loop3A_279 : vector<16xi32>
        %parallel_loop3A_284 = vector.broadcast %parallel_loop3A_281 : i32 to vector<16xi32>
        %parallel_loop3A_285 = arith.minsi %parallel_loop3A_284, %parallel_loop3A_283 : vector<16xi32>
        %parallel_loop3A_286 = arith.constant 1.000000e+00 : f32
        %parallel_loop3A_287 = vector.broadcast %parallel_loop3A_286 : f32 to vector<16xf32>
        %parallel_loop3A_288 = arith.addf %parallel_loop3A_259, %parallel_loop3A_287 : vector<16xf32>
        %parallel_loop3A_289 = arith.constant 6.400000e+01 : f32
        %parallel_loop3A_290 = vector.broadcast %parallel_loop3A_289 : f32 to vector<16xf32>
        %parallel_loop3A_291 = arith.mulf %parallel_loop3A_288, %parallel_loop3A_290 : vector<16xf32>
        %parallel_loop3A_292 = arith.fptosi %parallel_loop3A_291 : vector<16xf32> to vector<16xi32>
        %parallel_loop3A_293 = arith.constant 0 : i32
        %parallel_loop3A_294 = arith.constant 127 : i32
        %parallel_loop3A_295 = vector.broadcast %parallel_loop3A_293 : i32 to vector<16xi32>
        %parallel_loop3A_296 = arith.maxsi %parallel_loop3A_295, %parallel_loop3A_292 : vector<16xi32>
        %parallel_loop3A_297 = vector.broadcast %parallel_loop3A_294 : i32 to vector<16xi32>
        %parallel_loop3A_298 = arith.minsi %parallel_loop3A_297, %parallel_loop3A_296 : vector<16xi32>
        %parallel_loop3A_299 = arith.constant 128 : i32
        %parallel_loop3A_300 = vector.broadcast %parallel_loop3A_299 : i32 to vector<16xi32>
        %parallel_loop3A_301 = arith.muli %parallel_loop3A_272, %parallel_loop3A_300 : vector<16xi32>
        %parallel_loop3A_302 = arith.addi %parallel_loop3A_301, %parallel_loop3A_285 : vector<16xi32>
        %parallel_loop3A_303 = arith.constant 128 : i32
        %parallel_loop3A_304 = vector.broadcast %parallel_loop3A_303 : i32 to vector<16xi32>
        %parallel_loop3A_305 = arith.muli %parallel_loop3A_302, %parallel_loop3A_304 : vector<16xi32>
        %parallel_loop3A_306 = arith.addi %parallel_loop3A_305, %parallel_loop3A_298 : vector<16xi32>
        %parallel_loop3A_307 = arith.constant 65535 : i32
        %parallel_loop3A_308 = vector.broadcast %parallel_loop3A_307 : i32 to vector<16xi32>
        %parallel_loop3A_309 = arith.andi %parallel_loop3A_306, %parallel_loop3A_308 : vector<16xi32>
        %parallel_loop3A_310 = arith.constant 2 : i32
        %parallel_loop3A_311 = vector.broadcast %parallel_loop3A_310 : i32 to vector<16xi32>
        %parallel_loop3A_312 = arith.shrui %parallel_loop3A_272, %parallel_loop3A_311 : vector<16xi32>
        %parallel_loop3A_313 = tpu.vector_load_idx %arg6[%parallel_loop3A_309] : memref<65536xi32, #tpu.memory_space<vmem>>[vector<16xi32>], vector<16xi32>,
        %parallel_loop3A_314 = arith.shrui %parallel_loop3A_313, %parallel_loop3A_312 : vector<16xi32>
        %parallel_loop3A_315 = arith.constant 1 : i32
        %parallel_loop3A_316 = vector.broadcast %parallel_loop3A_315 : i32 to vector<16xi32>
        %parallel_loop3A_317 = arith.andi %parallel_loop3A_314, %parallel_loop3A_316 : vector<16xi32>
        %parallel_loop3A_318 = arith.constant 0 : i32
        %parallel_loop3A_319 = vector.broadcast %parallel_loop3A_318 : i32 to vector<16xi32>
        %parallel_loop3A_320 = arith.cmpi ne, %parallel_loop3A_317, %parallel_loop3A_319 : vector<16xi32>
        %parallel_loop3A_321 = arith.andi %parallel_loop3A_320, %gt3A_223 : vector<16xi1>
        %parallel_loop3A_322 = arith.constant 0.000000e+00 : f32
        %parallel_loop3A_323 = vector.broadcast %parallel_loop3A_322 : f32 to vector<16xf32>
        %parallel_loop3A_324 = arith.select %parallel_loop3A_321, %parallel_loop3A_242, %parallel_loop3A_323 : vector<16xi1>, vector<16xf32>
        %parallel_loop3A_325 = arith.constant 0.000000e+00 : f32
        %parallel_loop3A_326 = vector.broadcast %parallel_loop3A_325 : f32 to vector<16xf32>
        %parallel_loop3A_327 = arith.select %parallel_loop3A_321, %parallel_loop3A_249, %parallel_loop3A_326 : vector<16xi1>, vector<16xf32>
        %parallel_loop3A_328 = vector.broadcast %parallel_loop3A_236 : i32 to vector<16xi32>
        %parallel_loop3A_329 = arith.addi %mul3A_5, %parallel_loop3A_328 : vector<16xi32>
        tpu.vector_store_idx %arg10[%parallel_loop3A_329], %parallel_loop3A_324 : memref<4096xf32, #tpu.memory_space<vmem>>[vector<16xi32>], vector<16xf32>,
        %parallel_loop3A_330 = arith.constant 128 : i32
        %parallel_loop3A_331 = vector.broadcast %parallel_loop3A_330 : i32 to vector<16xi32>
        %parallel_loop3A_332 = arith.addi %parallel_loop3A_329, %parallel_loop3A_331 : vector<16xi32>
        tpu.vector_store_idx %arg10[%parallel_loop3A_332], %parallel_loop3A_327 : memref<4096xf32, #tpu.memory_space<vmem>>[vector<16xi32>], vector<16xf32>,
      } {sc.loop_unroll_factor = 4 : i64, sc.parallel_access}
      %mul3A_228 = arith.constant 16 : i32
      %mul3A_229 = arith.muli %add3A_28, %mul3A_228 : i32
      %add3A_230 = arith.addi %mul3A_2, %mul3A_229 : i32
      %mul3A_231 = arith.constant 256 : i32
      %mul3A_232 = arith.muli %add3A_230, %mul3A_231 : i32
      %dma_start3A_233 = tpu.memref_slice %arg5[%mul3A_232] : memref<16777216xf32, #tpu.memory_space<hbm>> -> memref<4096xf32, #tpu.memory_space<hbm>>
      %dma_start3A_234 = tpu.memref_slice %arg5[%mul3A_232] : memref<16777216xf32, #tpu.memory_space<hbm>> -> memref<4096xf32, #tpu.memory_space<hbm>>
      tpu.enqueue_dma source(%arg10 : memref<4096xf32, #tpu.memory_space<vmem>>) target(%dma_start3A_234 : memref<4096xf32, #tpu.memory_space<hbm>>) target_semaphore(%arg12 : memref<!tpu.dma_semaphore, #tpu.memory_space<semaphore_mem>>)
      %scan3A_235 = arith.constant 0 : i32
      scf.yield %scan3A_235 : i32
    }
    %scan3A_11 = arith.constant 64 : i32
    %add3A_12 = arith.constant 2016 : i32
    %add3A_13 = arith.addi %mul3A_2, %add3A_12 : i32
    %mul3A_14 = arith.constant 256 : i32
    %mul3A_15 = arith.muli %add3A_13, %mul3A_14 : i32
    %dma_wait3A = tpu.memref_slice %arg5[%mul3A_15] : memref<16777216xf32, #tpu.memory_space<hbm>> -> memref<4096xf32, #tpu.memory_space<hbm>>
    %dma_wait3A_16 = tpu.memref_slice %arg5[%mul3A_15] : memref<16777216xf32, #tpu.memory_space<hbm>> -> memref<4096xf32, #tpu.memory_space<hbm>>
    tpu.wait_dma2 semaphore(%arg11 : memref<!tpu.dma_semaphore, #tpu.memory_space<semaphore_mem>>) src(%arg9 : memref<4096xf32, #tpu.memory_space<vmem>>) dst(%dma_wait3A_16 : memref<4096xf32, #tpu.memory_space<hbm>>)
    %add3A_17 = arith.constant 2032 : i32
    %add3A_18 = arith.addi %mul3A_2, %add3A_17 : i32
    %mul3A_19 = arith.constant 256 : i32
    %mul3A_20 = arith.muli %add3A_18, %mul3A_19 : i32
    %dma_wait3A_21 = tpu.memref_slice %arg5[%mul3A_20] : memref<16777216xf32, #tpu.memory_space<hbm>> -> memref<4096xf32, #tpu.memory_space<hbm>>
    %dma_wait3A_22 = tpu.memref_slice %arg5[%mul3A_20] : memref<16777216xf32, #tpu.memory_space<hbm>> -> memref<4096xf32, #tpu.memory_space<hbm>>
    tpu.wait_dma2 semaphore(%arg12 : memref<!tpu.dma_semaphore, #tpu.memory_space<semaphore_mem>>) src(%arg10 : memref<4096xf32, #tpu.memory_space<vmem>>) dst(%dma_wait3A_22 : memref<4096xf32, #tpu.memory_space<hbm>>)
    return
  }
}

module attributes {stable_mosaic.version = 14 : i64} {
  func.func @_pack_body(%arg0: i32, %arg1: memref<32x8x128xf32, #tpu.memory_space<vmem>>, %arg2: memref<8x128xi32, #tpu.memory_space<vmem>>) attributes {dimension_semantics = [#tpu.dimension_semantics<arbitrary>], iteration_bounds = array<i64: 64>, scalar_prefetch = 0 : i64, scratch_operands = 0 : i64, tpu.core_type = #tpu.core_type<tc>, window_params = [{transform_indices = @transform_0, window_bounds = array<i64: 32, 8, 128>}, {transform_indices = @transform_1, window_bounds = array<i64: 8, 128>}]} {
    %get3A = arith.constant 0 : index
    %get3A_0 = arith.constant 0 : index
    %get3A_1 = arith.constant 0 : index
    %get3A_2 = vector.load %arg1[%get3A, %get3A_0, %get3A_1] : memref<32x8x128xf32, #tpu.memory_space<vmem>>, vector<32x8x128xf32>
    %iota3A = tpu.iota {dimensions = array<i32: 0>} : vector<32x8x128xi32>
    %gt3A = arith.constant 5.000000e-01 : f32
    %gt3A_3 = vector.broadcast %gt3A : f32 to vector<32x8x128xf32>
    %gt3A_4 = arith.cmpf ogt, %get3A_2, %gt3A_3 : vector<32x8x128xf32>
    %shift_left3A = arith.constant 1 : i32
    %shift_left3A_5 = vector.broadcast %shift_left3A : i32 to vector<32x8x128xi32>
    %shift_left3A_6 = arith.shli %shift_left3A_5, %iota3A : vector<32x8x128xi32>
    %jit3A = arith.constant 0 : i32
    %broadcast_in_dim3A = vector.broadcast %jit3A : i32 to vector<32x8x128xi32>
    %select_n3A = arith.select %gt3A_4, %shift_left3A_6, %broadcast_in_dim3A : vector<32x8x128xi1>, vector<32x8x128xi32>
    %reduce_sum3A = arith.constant dense<0> : vector<8x128xi32>
    %reduce_sum3A_7 = vector.multi_reduction <add>, %select_n3A, %reduce_sum3A [0] : vector<32x8x128xi32> to vector<8x128xi32>
    %swap3A = arith.constant 0 : index
    %swap3A_8 = arith.constant 0 : index
    %swap3A_9 = vector.load %arg2[%swap3A, %swap3A_8] : memref<8x128xi32, #tpu.memory_space<vmem>>, vector<8x128xi32>
    tpu.vector_store %arg2[%swap3A, %swap3A_8], %reduce_sum3A_7 {strides = array<i32>} : memref<8x128xi32, #tpu.memory_space<vmem>>, vector<8x128xi32>,
    return
  }
  func.func @transform_0(%arg0: i32) -> (i32, i32, i32) {
    %c0_i32 = arith.constant 0 : i32
    %c0_i32_0 = arith.constant 0 : i32
    %c0_i32_1 = arith.constant 0 : i32
    return %c0_i32, %arg0, %c0_i32_0 : i32, i32, i32
  }
  func.func @transform_1(%arg0: i32) -> (i32, i32) {
    %c0_i32 = arith.constant 0 : i32
    %c0_i32_0 = arith.constant 0 : i32
    return %arg0, %c0_i32 : i32, i32
  }
}

</mosaic_0001>

<sc_bundles>
// kernel: kernel.4.cloned.1.call-start
scs
__scs_entry_jumppad:
0x0: {  	(pc) =	sbr.rel $0x88, $3  }
0x1: {  	(tag) =	ssettag $0x0;
	lr =	simm.s32 $0x1  }
0x2: {  	[smem:$0x3F9E] =	sst lr;
	_ =	strace $0xD0000000  }
0x3: {  	_ = 	snop  }
0x4: {  	_ = 	snop  }
0x5: {  	_ = 	snop  }
0x6: {  	_ = 	snop  }
0x7: {  	_ = 	snop  }
__scs_overlays_trampoline_lowered:
0x8: {  	[smem:$0x3FAD] =	sst s0  }
0x9: {  	[smem:$0x3FAE] =	sst s1  }
0xa: {  	[smem:$0x3FAF] =	sst s2  }
0xb: {  	[smem:$0x3FB0] =	sst s3  }
0xc: {  	[smem:$0x3FB1] =	sst s4  }
0xd: {  	[smem:$0x3FB2] =	sst s5  }
0xe: {  	[smem:$0x3FB3] =	sst s6  }
0xf: {  	[smem:$0x3FB4] =	sst s7  }
0x10: {  	[smem:$0x3FB5] =	sst s8  }
0x11: {  	[smem:$0x3FB6] =	sst s9;
	s0 =	simm.s32 @!p0 $0x0  }
0x12: {  	s1 =	sld [smem:$0x3F9C];
	s0 =	simm.s32 @p0 $0x1  }
0x13: {  	[smem:$0x3FB7] =	sst s0;
	s0 =	simm.s32 @!p1 $0x0  }
0x14: {  	s2 =	sld [smem:$0x3F9B];
	s0 =	simm.s32 @p1 $0x1  }
0x15: {  	[smem:$0x3FB8] =	sst s0;
	s0 =	simm.s32 @!p2 $0x0  }
0x16: {  	s3 =	sld [smem:$0x3FDB];
	s0 =	simm.s32 @p2 $0x1  }
0x17: {  	s4 =	simm.s32 $0x1BF5;
	[smem:$0x3FBA] =	sst s0  }
0x18: {  	s0 =	sld [smem:$0x3F9D];
	_ =	swait.ge [sflag:s4], $0x0  }
0x19: {  	s7 =	sld [smem:$0x3F9E]  }
0x1a: {  	s8 =	sadd.s32 $0xFFFFE003, lr  }
0x1b: {  	s9 =	sadd.s32 $0xFFFFFEF7, lr;
	s5 =	simm.s32 $0xFFFFFFFF;
	p2 =	slt.u32 s8, $0xFFFFF086  }
0x1c: {  	p1 =	slt.u32 s9, $0xF7A;
	s5 =	simm.s32 @!p2 $0x0  }
0x1d: {  	s5 =	simm.s32 @p1 $0x1;
	p0 =	seq.s32 s7, s2  }
0x1e: {  	s7 =	smul.u32 @!p0 $0xF7A, s2;
	p2 =	seq.s32 @!p0 s5, $0x0  }
0x1f: {  	s9 =	smul.u32 $0xF7A, s1;
	s8 =	simm.s32 @!p0 $0x1BF5;
	p2 =	por !p2, p0  }
0x20: {  	[sflag:s8] =	ssyncset.s32 @!p0 $0xFFFFF086;
	s6 =	sadd.s32 @!p0 s3, s7;
	s7 =	simm.s32 @!p0 $0x108  }
0x21: {  	s3 =	sadd.s32 s3, s9;
	s6 =	sadd.s32 @!p0 $0x88, s6;
	s7 =	simm.s32 @p2 $0x1082  }
0x22: {  	[simem:s7], [sflag:s8] =	dma.local @!p0 [hbm:s6], $0xF7A  }
0x23: {  	s9 =	sor.u32 $0xD0000000, s2;
	s6 =	simm.s32 $0x108;
	_ =	swait.ge @!p0 [sflag:s8], $0x0  }
0x24: {  	s3 =	sadd.s32 $0x88, s3;
	s6 =	simm.s32 @!p1 $0x1082;
	[sflag:s4] =	ssyncset.s32 $0xFFFFF086  }
0x25: {  	[simem:s6], [sflag:s4] =	dma.local [hbm:s3], $0xF7A  }
0x26: {  	[smem:$0x3F9E] =	sst s1;
	(tag) =	ssettag s2;
	_ =	strace s9  }
0x27: {  	s1 =	sld [smem:$0x3FAE]  }
0x28: {  	s2 =	sld [smem:$0x3FAF]  }
0x29: {  	s4 =	sld [smem:$0x3FB1]  }
0x2a: {  	p0 =	seq.s32 s5, $0x0;
	s5 =	sld [smem:$0x3FB2]  }
0x2b: {  	s6 =	sld [smem:$0x3FB3]  }
0x2c: {  	s7 =	sld [smem:$0x3FB4]  }
0x2d: {  	s3 =	simm.s32 $0x108;
	s8 =	sld [smem:$0x3FB5]  }
0x2e: {  	s3 =	simm.s32 @!p0 $0x1082;
	s9 =	sld [smem:$0x3FB6]  }
0x2f: {  	lr =	sadd.s32 s0, s3;
	s0 =	sld [smem:$0x3FAD]  }
0x30: {  	s3 =	sld [smem:$0x3FB0]  }
0x31: {  	[smem:$0x3FB9] =	sst s10  }
0x32: {  	s10 =	sld [smem:$0x3FB7];
	_ =	sdelay $0x3  }
0x33: {  	p0 =	seq.s32 s10, $0x1;
	s10 =	sld [smem:$0x3FB9];
	_ =	sdelay $0x3  }
0x34: {  	[smem:$0x3FB9] =	sst s10  }
0x35: {  	s10 =	sld [smem:$0x3FB8];
	_ =	sdelay $0x3  }
0x36: {  	p1 =	seq.s32 s10, $0x1;
	s10 =	sld [smem:$0x3FB9];
	_ =	sdelay $0x3  }
0x37: {  	[smem:$0x3FB9] =	sst s10  }
0x38: {  	s10 =	sld [smem:$0x3FBA]  }
0x39: {  	_ = 	snop;
	(pc) =	sbr.ind lr, $3  }
0x3a: {  	_ = 	snop  }
0x3b: {  	_ = 	snop  }
0x3c: {  	p2 =	seq.s32 s10, $0x1;
	s10 =	sld [smem:$0x3FB9]  }
0x3d: {  	_ =	shalt  }
0x3e: {  	_ =	shalt  }
0x3f: {  	_ =	shalt  }
0x40: {  	_ =	shalt  }
0x41: {  	_ =	shalt  }
0x42: {  	_ =	shalt  }
0x43: {  	_ =	shalt  }
0x44: {  	_ =	shalt  }
0x45: {  	_ =	shalt  }
0x46: {  	_ =	shalt  }
0x47: {  	_ =	shalt  }
0x48: {  	_ =	shalt  }
0x49: {  	_ =	shalt  }
0x4a: {  	_ =	shalt  }
0x4b: {  	_ =	shalt  }
0x4c: {  	_ =	shalt  }
0x4d: {  	_ =	shalt  }
0x4e: {  	_ =	shalt  }
0x4f: {  	_ =	shalt  }
0x50: {  	_ =	shalt  }
0x51: {  	_ =	shalt  }
0x52: {  	_ =	shalt  }
0x53: {  	_ =	shalt  }
0x54: {  	_ =	shalt  }
0x55: {  	_ =	shalt  }
0x56: {  	_ =	shalt  }
0x57: {  	_ =	shalt  }
0x58: {  	_ =	shalt  }
0x59: {  	_ =	shalt  }
0x5a: {  	_ =	shalt  }
0x5b: {  	_ =	shalt  }
0x5c: {  	_ =	shalt  }
0x5d: {  	_ =	shalt  }
0x5e: {  	_ =	shalt  }
0x5f: {  	_ =	shalt  }
0x60: {  	_ =	shalt  }
0x61: {  	_ =	shalt  }
0x62: {  	_ =	shalt  }
0x63: {  	_ =	shalt  }
0x64: {  	_ =	shalt  }
0x65: {  	_ =	shalt  }
0x66: {  	_ =	shalt  }
0x67: {  	_ =	shalt  }
0x68: {  	_ =	shalt  }
0x69: {  	_ =	shalt  }
0x6a: {  	_ =	shalt  }
0x6b: {  	_ =	shalt  }
0x6c: {  	_ =	shalt  }
0x6d: {  	_ =	shalt  }
0x6e: {  	_ =	shalt  }
0x6f: {  	_ =	shalt  }
0x70: {  	_ =	shalt  }
0x71: {  	_ =	shalt  }
0x72: {  	_ =	shalt  }
0x73: {  	_ =	shalt  }
0x74: {  	_ =	shalt  }
0x75: {  	_ =	shalt  }
0x76: {  	_ =	shalt  }
0x77: {  	_ =	shalt  }
0x78: {  	_ =	shalt  }
0x79: {  	_ =	shalt  }
0x7a: {  	_ =	shalt  }
0x7b: {  	_ =	shalt  }
0x7c: {  	_ =	shalt  }
0x7d: {  	_ =	shalt  }
0x7e: {  	_ =	shalt  }
0x7f: {  	_ =	shalt  }
0x80: {  	_ =	shalt  }
0x81: {  	_ =	shalt  }
0x82: {  	_ =	shalt  }
0x83: {  	_ =	shalt  }
0x84: {  	_ =	shalt  }
0x85: {  	_ =	shalt  }
0x86: {  	_ =	shalt  }
0x87: {  	_ =	shalt  }
.Lfunc_end0:
.L_simem_size_0:
called_computation_lowered:
.L_overlay_start_0:
0x88: {  	s2 =	sld [smem:$0x3FD9]  }
0x89: {  	s3 =	sld [smem:$0x3FFE];
	_ =	sdelay $0x1  }
0x8a: {  	s1 =	srdreg.scid  }
0x8b: {  	s0 =	sand.u32 $0x1, s1  }
0x8c: {  	s17 =	sshll.u32 s0, $0xA;
	s2 =	sadd.s32 s3, s2  }
0x8d: {  	s2 =	sadd.s32 s2, s17  }
0x8e: {  	[smem:$0x3FC5] =	sst s2  }
0x8f: {  	_ = 	snop  }
0x90: {  	s2 =	sld [smem:$0x3FC9]  }
0x91: {  	s18 =	sld [smem:$0x3FC8]  }
0x92: {  	s4 =	sld [smem:$0x3FD0];
	(tm) =	ssettm $0x1  }
0x93: {  	s5 =	sld [smem:$0x3FFB];
	_ =	sdelay $0x3  }
0x94: {  	_ =	strace s5  }
0x95: {  	s5 =	sld [smem:$0x3FFC];
	_ =	sdelay $0x3  }
0x96: {  	_ =	strace s5  }
0x97: {  	s5 =	sld [smem:$0x3FFD];
	_ =	sdelay $0x3  }
0x98: {  	_ =	strace s5  }
0x99: {  	_ =	strace $0x8FFFFFFF  }
0x9a: {  	s19 =	sld [smem:$0x3FDB];
	_ =	sdelay $0x1  }
0x9b: {  	s6 =	simm.s32 $_scs_section_size  }
0x9c: {  	s7 =	simm.s32 $_size__tile_overlayer_lowered;
	s8 =	simm.s32 $_tile_overlayer_lowered  }
0x9d: {  	s22 =	simm.s32 $0x1BFF;
	s21 =	sshll.u32 s8, $0x1;
	s5 =	sadd.s32 s6, s19  }
0x9e: {  	s9 =	simm.s32 $0x0;
	s20 =	sshll.u32 s7, $0x1;
	s7 =	sadd.s32 s21, s5  }
0x9f: {  	[timem:s9], [sflag:s22] =	dma.local [hbm:s7], s20  }
0xa0: {  	_ =	swait.ge [sflag:s22], s20  }
0xa1: {  	s6 =	ssub.s32 $0x0, s20;
	[sflag:s22] =	ssyncset.done $0x0  }
0xa2: {  	[sflag:s22] =	ssyncadd.s32 s6;
	_ =	sdelay $0x1  }
0xa3: {  	s23 =	simm.s32 $0x1B8B  }
0xa4: {  	_ =	swait.ge [sflag:s23], $0x1  }
0xa5: {  	[sflag:s23] =	ssyncset.done $0x0  }
0xa6: {  	s25 =	simm.s32 $0x1B8E;
	s24 =	sld [smem:$0x3FFE];
	[sflag:s23] =	ssyncadd.s32 $0xFFFFFFFF  }
0xa7: {  	s26 =	simm.s32 $execute0_lowered;
	[smem:$0x3FD2] =	sst s25  }
0xa8: {  	s7 =	sshll.u32 s26, $0x1;
	_ =	strace $0x80000046;
	[dreg:$0x1] =	wrdreg $0xFFFFFFFF  }
0xa9: {  	s28 =	simm.s32 $_size_execute0_lowered;
	s5 =	sadd.s32 s5, s7;
	[dreg:$0x0] =	wrdreg $0x0  }
0xaa: {  	s7 =	sshll.u32 s28, $0x1;
	[dreg:$0x2] =	wrdreg s5  }
0xab: {  	[dreg:$0x3] =	wrdreg s7  }
0xac: {  	[dreg:$0x4] =	wrdreg $0xC0  }
0xad: {  	_ =	task [dreg:s9], $0x5FFFF  }
0xae: {  	[dreg:$0x1] =	wrdreg $0xFFFFFFFF  }
0xaf: {  	[dreg:$0x0] =	wrdreg $0x60  }
0xb0: {  	[dreg:$0x2] =	wrdreg s2  }
0xb1: {  	[dreg:$0x3] =	wrdreg s18  }
0xb2: {  	[dreg:$0x4] =	wrdreg s24  }
0xb3: {  	[dreg:$0x5] =	wrdreg s4  }
0xb4: {  	[dreg:$0x6] =	wrdreg $0x9  }
0xb5: {  	_ =	task.clear_ibuf [dreg:s9], $0x7FFFF;
	_ =	strace $0x90000046  }
0xb6: {  	s29 =	simm.s32 $0x9;
	_ =	strace $0x80000048  }
0xb7: {  	_ =	swait.ge [sflag:s29], $0x1  }
0xb8: {  	[sflag:s29] =	ssyncadd.s32 $0xFFFFFFFF  }
0xb9: {  	_ =	strace $0x90000048  }
0xba: {  	_ =	sfence  }
0xbb: {  	s30 =	sld [smem:$0x0];
	_ =	sdelay $0x2  }
0xbc: {  	s31 =	sshll.u32 s1, $0xD;
	s1 =	sshrl.u32 s1, $0x2  }
0xbd: {  	s3 =	sand.u32 $0x4000, s31;
	s1 =	sadd.s32 s1, s30  }
0xbe: {  	s0 =	sor.u32 s3, s0;
	s1 =	sshll.u32 s1, $0x11  }
0xbf: {  	s0 =	sor.u32 s1, s0  }
0xc0: {  	s0 =	sadd.s32 $0x8F2B, s0  }
0xc1: {  	[sflag:s0] =	ssyncadd.remote.s32 $0x1  }
0xc2: {  	_ =	sfence.sel $0xFFFF  }
0xc3: {  	[dreg:$0x0] =	wrdreg $0xFFFFFFFF;
	(pc) =	sbr.abs _section_cstart, $3  }
0xc4: {  	[dreg:$0x1] =	wrdreg $0xFFFFFFFF  }
0xc5: {  	_ =	task.clear_ibuf [dreg:s9], $0x2FFFF;
	_ =	strace $0x9FFFFFFF  }
0xc6: {  	(tm) =	ssettm $0x7FFFFFFF  }
0xc7: {  	_ =	shalt  }
tec
execute0_lowered:
.L_overlay_start_1:
0x0: {  	(tag) =	ssettag $0x1  }
0x1: {  	s6 =	rddreg [dreg:$0x0]  }
0x2: {  	s7 =	rddreg [dreg:$0x1]  }
0x3: {  	s5 =	rddreg [dreg:$0x2]  }
0x4: {  	s2 =	rddreg [dreg:$0x3];
	s4 =	srdreg.scid;
	s3 =	simm.s32 $0x0  }
0x5: {  	s0 =	stileid.u32;
	s12 =	simm.s32 $0x14000;
	s13 =	simm.s32 $0x15000  }
0x6: {  	s14 =	simm.s32 $0x1;
	s15 =	simm.s32 $0x2;
	s4 =	sand.u32 $0x1, s4  }
0x7: {  	s16 =	simm.s32 $0x0;
	s8 =	sshll.u32 s0, $0xC;
	s9 =	sshll.u32 s4, $0xB  }
0x8: {  	v0 =	vlaneseq.u32;
	[smem:$0x7FF] =	sst s3;
	s10 =	ssub.s32 $0x2, s4;
	s4 =	sor.u32 s9, s8  }
0x9: {  	s5 =	sadd.s32 $0x800, s5;
	v0 =	vmul.u32 $0x100, v0;
	s31 =	sshrl.u32 s10, $0x1;
	s9 =	sshrl.u32 s4, $0x1  }
0xa: {  	_ =	strace $0x80000047;
	s8 =	ssub.s32 s10, s31;
	s6 =	sadd.s32 s6, s9  }
0xb: {  	v1 =	vor.u32 $0x80, v0;
	s7 =	sadd.s32 s7, s9;
	s8 =	smax.u32 s8, $0x1;
	s9 =	simm.s32 $0x3  }
.LBB2_1:
0xc: {  	[tilespmem:s3], [sflag:$0x3] =	stream.linear.gather [hbm4b:s5+s3], $0x10000, $0x38;
	[tilespmem:$0x16000] =	vst v63  }
0xd: {  	_ =	swait.ge [sflag:s9], $0x10000  }
0xe: {  	[sflag:s9] =	ssyncset.done $0x0  }
0xf: {  	s0 =	simm.s32 $0x10000;
	[sflag:s9] =	ssyncadd.s32 $0xFFFF0000  }
0x10: {  	[tilespmem:s0], [sflag:$0x3] =	stream.linear.gather [hbm4b:s6+s3], $0x2000, $0x38;
	[tilespmem:$0x16000] =	vst v63  }
0x11: {  	_ =	swait.ge [sflag:s9], $0x2000  }
0x12: {  	[sflag:s9] =	ssyncset.done $0x0  }
0x13: {  	s31 =	simm.s32 $0x12000;
	[sflag:s9] =	ssyncadd.s32 $0xFFFFE000  }
0x14: {  	[tilespmem:s31], [sflag:$0x3] =	stream.linear.gather [hbm4b:s7+s3], $0x2000, $0x38;
	[tilespmem:$0x16000] =	vst v63  }
0x15: {  	_ =	swait.ge [sflag:s9], $0x2000  }
0x16: {  	[sflag:s9] =	ssyncset.done $0x0  }
0x17: {  	s17 =	simm.s32 $0x0;
	[sflag:s9] =	ssyncadd.s32 $0xFFFFE000  }
.LBB2_2:
0x18: {  	p0 =	seq.s32 s17, $0x0  }
0x19: {  	s18 =	simm.s32 @!p0 $0x1  }
0x1a: {  	s20 =	sshll.u32 s17, $0x5;
	s19 =	sshll.u32 s17, $0x7;
	_ =	swait.ge @!p0 [sflag:s18], $0x1000  }
0x1b: {  	s21 =	sand.u32 $0x60, s20;
	s19 =	sand.u32 $0x1E00, s19;
	[sflag:s18] =	ssyncset.done @!p0 $0x0  }
0x1c: {  	s1 =	sor.u32 s21, s19;
	[sflag:s18] =	ssyncadd.s32 @!p0 $0xFFFFF000  }
0x1d: {  	v2 =	vld [tilespmem:s1+$0x12000]  }
0x1e: {  	v3 =	vld [tilespmem:s1+$0x12080]  }
0x1f: {  	v4 =	vld [tilespmem:s1+$0x12100];
	_ =	sdelay $0x2  }
0x20: {  	v5 =	vand.u32 $0x7FFFFFFF, v2  }
0x21: {  	vm0 =	vlt.f32 v5, $9.999999930e-09;
	v5 =	vand.u32 $0x7FFFFFFF, v3  }
0x22: {  	v6 =	vsel vm0, $0x322BCC77, v2;
	vm0 =	vlt.f32 v5, $9.999999930e-09;
	v5 =	vand.u32 $0x7FFFFFFF, v4  }
0x23: {  	v7 =	vsel vm0, $0x322BCC77, v3;
	vm0 =	vlt.f32 v5, $9.999999930e-09;
	(erf) = vrcp.f32 v6  }
0x24: {  	v5 =	vsel vm0, $0x322BCC77, v4;
	(erf) = vrcp.f32 v7  }
0x25: {  	v8 =	vld [tilespmem:s1+$0x10080];
	(erf) = vrcp.f32 v5  }
0x26: {  	v7 =	vld [tilespmem:s1+$0x10000]  }
0x27: {  	v9 =	vld [tilespmem:s1+$0x10100];
	_ =	sdelay $0x2  }
0x28: {  	v11 =	vsub.f32 $-1.000000000e+00, v8  }
0x29: {  	v5 =	vsub.f32 $-1.000000000e+00, v7;
	v6 =	vsub.f32 $1.000000000e+00, v7  }
0x2a: {  	v12 =	vsub.f32 $1.000000000e+00, v8;
	v14 =	vsub.f32 $1.000000000e+00, v9;
	v10 =	vpop (erf)  }
0x2b: {  	v13 =	vpop (erf);
	v5 =	vmul.f32 v10, v5;
	v6 =	vmul.f32 v10, v6;
	v10 =	vsub.f32 $-1.000000000e+00, v9  }
0x2c: {  	v11 =	vmul.f32 v13, v11;
	v12 =	vmul.f32 v13, v12;
	v13 =	vpop (erf)  }
0x2d: {  	v10 =	vmul.f32 v13, v10;
	v13 =	vmul.f32 v13, v14  }
0x2e: {  	s23 =	simm.s32 $0x0;
	s10 =	simm.s32 $0x2;
	v14 =	vmin.f32 v5, v6;
	v5 =	vmax.f32 v5, v6;
	v15 =	vmin.f32 v11, v12  }
0x2f: {  	s22 =	scvt.s32.f32 s23;
	s24 =	scvt.s32.f32 s10;
	s21 =	simm.s32 $0x3;
	v6 =	vmax.f32 v11, v12;
	v14 =	vmax.f32 v14, v15;
	v15 =	vmin.f32 v10, v13  }
0x30: {  	s25 =	scvt.s32.f32 s21;
	v5 =	vmin.f32 v5, v6;
	v6 =	vmax.f32 v10, v13;
	v11 =	vmax.f32 v14, v15  }
0x31: {  	s26 =	smul.f32 $7.812500000e-03, s22;
	s28 =	sadd.f32 $1.000000000e+00, s24;
	v5 =	vclamp.gez.f32 v5, v6;
	v10 =	vmax.f32 v11, $0.0e+00  }
0x32: {  	s22 =	sadd.f32 $1.000000000e+00, s22;
	s24 =	smul.f32 $7.812500000e-03, s24;
	v11 =	vmin.f32 v5, $1.000000000e+10;
	v15 =	vmin.f32 v10, $1.000000000e+10  }
0x33: {  	s28 =	smul.f32 $7.812500000e-03, s28;
	s29 =	sadd.f32 $1.000000000e+00, s25;
	v16 =	vsub.f32 v11, v15  }
0x34: {  	s22 =	smul.f32 $7.812500000e-03, s22  }
0x35: {  	s11 =	smul.f32 $7.812500000e-03, s29;
	v5 =	vmul.f32 s24, v16  }
0x36: {  	s25 =	smul.f32 $7.812500000e-03, s25;
	v10 =	vmul.f32 s28, v16;
	v12 =	vmul.f32 s22, v16;
	s22 =	simm.s32 $0x1  }
0x37: {  	v13 =	vmul.f32 s26, v16;
	v14 =	vmul.f32 s11, v16;
	s29 =	scvt.s32.f32 s22;
	v6 =	vadd.f32 v5, v15  }
0x38: {  	v5 =	vadd.f32 v10, v15;
	v10 =	vmul.f32 s25, v16;
	v12 =	vadd.f32 v12, v15  }
0x39: {  	v17 =	vadd.f32 v13, v15;
	v13 =	vadd.f32 v14, v15;
	s30 =	sadd.f32 $1.000000000e+00, s29  }
0x3a: {  	v18 =	vadd.f32 v5, v6;
	v10 =	vadd.f32 v10, v15  }
0x3b: {  	v14 =	vadd.f32 v12, v17;
	s24 =	smul.f32 $7.812500000e-03, s30  }
0x3c: {  	v18 =	vmul.f32 $5.000000000e-01, v18;
	v19 =	vadd.f32 v13, v10  }
0x3d: {  	vm0 =	vgt.f32 v11, v15;
	v20 =	vmul.f32 $5.000000000e-01, v14;
	v11 =	vmul.f32 s24, v16  }
0x3e: {  	v14 =	vmul.f32 v18, v2;
	v19 =	vmul.f32 $5.000000000e-01, v19  }
0x3f: {  	v22 =	vmul.f32 v20, v2;
	v24 =	vmul.f32 v18, v4  }
0x40: {  	v25 =	vmul.f32 v20, v3;
	v18 =	vmul.f32 v18, v3  }
0x41: {  	s31 =	smul.f32 $7.812500000e-03, s29;
	v20 =	vmul.f32 v20, v4;
	v11 =	vadd.f32 v11, v15;
	v14 =	vadd.f32 v14, v7  }
0x42: {  	v23 =	vmul.f32 v19, v2;
	v22 =	vadd.f32 v22, v7;
	v24 =	vadd.f32 v24, v9  }
0x43: {  	v21 =	vmul.f32 s31, v16;
	v20 =	vadd.f32 v20, v9;
	v18 =	vadd.f32 v18, v8  }
0x44: {  	v26 =	vadd.f32 $1.000000000e+00, v14;
	v23 =	vadd.f32 v23, v7  }
0x45: {  	v14 =	vadd.f32 v21, v15;
	v21 =	vmul.f32 v19, v4;
	v24 =	vadd.f32 $1.000000000e+00, v24  }
0x46: {  	v19 =	vmul.f32 v19, v3;
	v22 =	vadd.f32 $1.000000000e+00, v22;
	v20 =	vadd.f32 $1.000000000e+00, v20  }
0x47: {  	v18 =	vadd.f32 $1.000000000e+00, v18;
	v26 =	vmul.f32 $6.400000000e+01, v26;
	v27 =	vadd.f32 v21, v9  }
0x48: {  	v21 =	vadd.f32 v11, v14;
	v24 =	vmul.f32 $6.400000000e+01, v24;
	v29 =	vmul.f32 $6.400000000e+01, v20  }
0x49: {  	v23 =	vadd.f32 $1.000000000e+00, v23;
	v22 =	vmul.f32 $6.400000000e+01, v22;
	v18 =	vmul.f32 $6.400000000e+01, v18  }
0x4a: {  	v26 =	vtrunc.f32 v26;
	v28 =	vmul.f32 $5.000000000e-01, v21  }
0x4b: {  	v21 =	vtrunc.f32 v24;
	v23 =	vmul.f32 $6.400000000e+01, v23  }
0x4c: {  	v22 =	vtrunc.f32 v22;
	v29 =	vtrunc.f32 v29  }
0x4d: {  	v19 =	vadd.f32 v19, v8;
	v18 =	vtrunc.f32 v18;
	v26 =	vcvt.f32.s32 v26  }
0x4e: {  	v25 =	vadd.f32 v25, v8;
	v21 =	vcvt.f32.s32 v21;
	v22 =	vcvt.f32.s32 v22  }
0x4f: {  	v19 =	vadd.f32 $1.000000000e+00, v19;
	v29 =	vcvt.f32.s32 v29;
	v63 =	vcvt.f32.s32 v18  }
0x50: {  	v25 =	vadd.f32 $1.000000000e+00, v25;
	v23 =	vtrunc.f32 v23;
	v30 =	vmul.f32 v28, v4  }
0x51: {  	v18 =	vor.u32 s10, v1;
	v19 =	vmul.f32 $6.400000000e+01, v19;
	v32 =	vmul.f32 v28, v3  }
0x52: {  	v28 =	vmul.f32 v28, v2;
	vm1 =	vgt.s32 v26, $0x0;
	v23 =	vcvt.f32.s32 v23  }
0x53: {  	vm2 =	vgt.s32 v29, $0x0;
	v24 =	vnsel vm1, $0x0, v26;
	vm1 =	vgt.s32 v21, $0x0  }
0x54: {  	v19 =	vtrunc.f32 v19;
	v30 =	vadd.f32 v30, v9;
	v26 =	vmin.u32 v24, $0x7F  }
0x55: {  	v21 =	vnsel vm1, $0x0, v21;
	vm1 =	vgt.s32 v23, $0x0;
	v24 =	vshll.u32 v26, $0x7  }
0x56: {  	v20 =	vand.u32 $0x180, v24;
	v24 =	vmul.f32 $6.400000000e+01, v25;
	v25 =	vadd.f32 $1.000000000e+00, v27  }
0x57: {  	v28 =	vadd.f32 v28, v7;
	v19 =	vcvt.f32.s32 v19;
	v23 =	vnsel vm1, $0x0, v23  }
0x58: {  	vm1 =	vgt.s32 v22, $0x0;
	v24 =	vtrunc.f32 v24;
	v25 =	vmul.f32 $6.400000000e+01, v25  }
0x59: {  	v22 =	vnsel vm1, $0x0, v22;
	v27 =	vcvt.f32.s32 v24;
	v24 =	vmin.u32 v23, $0x7F  }
0x5a: {  	vm1 =	vgt.s32 v19, $0x0;
	v23 =	vtrunc.f32 v25;
	v25 =	vshll.u32 v24, $0x7  }
0x5b: {  	v31 =	vand.u32 $0x180, v25;
	v25 =	vmin.u32 v22, $0x7F;
	v22 =	vnsel vm2, $0x0, v29  }
0x5c: {  	v19 =	vnsel vm1, $0x0, v19;
	vm1 =	vgt.s32 v27, $0x0;
	v29 =	vmin.u32 v22, $0x7F  }
0x5d: {  	v22 =	vshrl.u32 v26, $0x2;
	v26 =	vnsel vm1, $0x0, v27;
	v27 =	vadd.f32 v32, v8  }
0x5e: {  	v21 =	vmin.u32 v21, $0x7F;
	v30 =	vadd.f32 $1.000000000e+00, v30;
	v19 =	vmin.u32 v19, $0x7F  }
0x5f: {  	v23 =	vcvt.f32.s32 v23;
	v33 =	vshll.u32 v25, $0x7;
	v27 =	vadd.f32 $1.000000000e+00, v27  }
0x60: {  	v19 =	vor.u32 v19, v31;
	v26 =	vmin.u32 v26, $0x7F;
	v31 =	vand.u32 $0x180, v33  }
0x61: {  	vm2 =	vgt.s32 v23, $0x0;
	v26 =	vor.u32 v26, v31;
	v27 =	vmul.f32 $6.400000000e+01, v27  }
0x62: {  	v28 =	vadd.f32 $1.000000000e+00, v28;
	v23 =	vnsel vm2, $0x0, v23;
	v26 =	vshll.u32 v26, $0x7  }
0x63: {  	v26 =	vor.u32 v29, v26;
	v29 =	vmul.f32 $6.400000000e+01, v30;
	v27 =	vtrunc.f32 v27  }
0x64: {  	v19 =	vshll.u32 v19, $0x7;
	v23 =	vmin.u32 v23, $0x7F;
	v30 =	vcvt.f32.s32 v27  }
0x65: {  	v27 =	vor.u32 v23, v19;
	v23 =	vmul.f32 $6.400000000e+01, v28;
	v19 =	vtrunc.f32 v29  }
0x66: {  	vm2 =	vgt.s32 v63, $0x0;
	v29 =	vcvt.f32.s32 v19;
	v19 =	vor.u32 s22, v1  }
0x67: {  	vm1 =	vgt.s32 v30, $0x0;
	v31 =	vtrunc.f32 v23;
	v23 =	vor.u32 s10, v0  }
0x68: {  	s18 =	sor.u32 $0x10, s20;
	s28 =	simm.s32 $0x4;
	v28 =	vld.idx.msk [tilespmem:v26+s3+$0x0], $0xffff;
	v26 =	vnsel vm2, $0x0, v63;
	v30 =	vnsel vm1, $0x0, v30;
	vm1 =	vgt.s32 v29, $0x0  }
.LBB2_3:
0x69: {  	s26 =	sadd.s32 $0x1, s28  }
0x6a: {  	s24 =	sadd.s32 $0x2, s28;
	s29 =	sadd.s32 $0x3, s28;
	v32 =	vor.u32 s23, v1;
	v31 =	vcvt.f32.s32 v31;
	v33 =	vor.u32 s21, v1;
	s30 =	smov.u32 s28  }
0x6b: {  	s25 =	sadd.s32 $0x4, s28;
	v34 =	vor.u32 s23, v0;
	v30 =	vmin.u32 v30, $0x7F;
	v35 =	vor.u32 s21, v0;
	s31 =	scvt.s32.f32 s30;
	s0 =	scvt.s32.f32 s29  }
0x6c: {  	p1 =	slt.u32 s28, $0x7C;
	v25 =	vshrl.u32 v25, $0x2;
	v29 =	vnsel vm1, $0x0, v29;
	s1 =	scvt.s32.f32 s26;
	s10 =	scvt.s32.f32 s24;
	vm2 =	vgt.s32 v31, $0x0  }
0x6d: {  	v29 =	vmin.u32 v29, $0x7F;
	s21 =	smov.u32 s29;
	v25 =	vshrl.u32 v28, v25;
	s28 =	smul.f32 $7.812500000e-03, s31;
	s31 =	sadd.f32 $1.000000000e+00, s31;
	v28 =	vnsel vm2, $0x0, v31;
	v27 =	vld.idx.msk [tilespmem:v27+s3+$0x0], $0xffff  }
0x6e: {  	v24 =	vshrl.u32 v24, $0x2;
	s23 =	smov.u32 s30;
	s29 =	sadd.f32 $1.000000000e+00, s1;
	s11 =	smul.f32 $7.812500000e-03, s0;
	v25 =	vand.u32 $0x1, v25;
	v28 =	vmin.u32 v28, $0x7F  }
0x6f: {  	s0 =	sadd.f32 $1.000000000e+00, s0;
	vm1 =	veq.s32 v25, $0x1;
	v31 =	vmul.f32 s28, v16;
	s28 =	smul.f32 $7.812500000e-03, s31;
	v25 =	vshll.u32 v28, $0x7  }
0x70: {  	s30 =	smul.f32 $7.812500000e-03, s10;
	s10 =	sadd.f32 $1.000000000e+00, s10;
	v36 =	vmul.f32 s11, v16;
	vm1 =	vmand vm0, vm1;
	v25 =	vand.u32 $0x180, v25  }
0x71: {  	s0 =	smul.f32 $7.812500000e-03, s0;
	v17 =	vnsel vm1, $0x0, v17;
	v37 =	vmul.f32 s28, v16;
	v30 =	vor.u32 v30, v25  }
0x72: {  	s11 =	smul.f32 $7.812500000e-03, s29;
	v38 =	vnsel vm1, $0x0, v12;
	v25 =	vmul.f32 s30, v16;
	v36 =	vadd.f32 v36, v15;
	[tilespmem:v34+s12+$0x0] =	vst.idx.msk $0xffff, v17  }
0x73: {  	s10 =	smul.f32 $7.812500000e-03, s10;
	v34 =	vmul.f32 s0, v16;
	v24 =	vshrl.u32 v27, v24;
	v12 =	vadd.f32 v37, v15;
	[tilespmem:v32+s12+$0x0] =	vst.idx.msk $0xffff, v38  }
0x74: {  	v26 =	vmin.u32 v26, $0x7F;
	v17 =	vadd.f32 v31, v15;
	s0 =	smul.f32 $7.812500000e-03, s1;
	v27 =	vmul.f32 s11, v16  }
0x75: {  	v20 =	vor.u32 v26, v20;
	v31 =	vmul.f32 s10, v16;
	v32 =	vadd.f32 v34, v15  }
0x76: {  	v20 =	vshll.u32 v20, $0x7;
	v27 =	vadd.f32 v27, v15;
	v34 =	vadd.f32 v12, v17  }
0x77: {  	v20 =	vor.u32 v21, v20;
	v26 =	vadd.f32 v25, v15;
	v25 =	vadd.f32 v31, v15  }
0x78: {  	v30 =	vshll.u32 v30, $0x7;
	v31 =	vadd.f32 v32, v36;
	v21 =	vmul.f32 $5.000000000e-01, v34  }
0x79: {  	v29 =	vor.u32 v29, v30;
	v37 =	vadd.f32 v25, v26;
	v34 =	vmul.f32 s0, v16  }
0x7a: {  	v24 =	vand.u32 $0x1, v24;
	v31 =	vmul.f32 $5.000000000e-01, v31;
	v30 =	vmul.f32 v21, v2  }
0x7b: {  	vm1 =	veq.s32 v24, $0x1;
	v37 =	vmul.f32 $5.000000000e-01, v37;
	v38 =	vmul.f32 v21, v3  }
0x7c: {  	vm1 =	vmand vm0, vm1;
	v24 =	vadd.f32 v30, v7;
	v30 =	vmul.f32 v31, v2;
	v20 =	vld.idx.msk [tilespmem:v20+s3+$0x0], $0xffff  }
0x7d: {  	v41 =	vnsel vm1, $0x0, v10;
	v10 =	vmovc v36;
	v39 =	vmul.f32 v37, v2;
	v40 =	vmul.f32 v37, v3  }
0x7e: {  	v13 =	vnsel vm1, $0x0, v13;
	v36 =	vmul.f32 v37, v4;
	v30 =	vadd.f32 v30, v7;
	[tilespmem:v35+s12+$0x0] =	vst.idx.msk $0xffff, v41  }
0x7f: {  	v34 =	vadd.f32 v34, v15;
	v37 =	vmul.f32 v31, v4;
	v35 =	vadd.f32 v39, v7;
	v29 =	vld.idx.msk [tilespmem:v29+s3+$0x0], $0xffff  }
0x80: {  	v21 =	vmul.f32 v21, v4;
	v36 =	vadd.f32 v36, v9;
	v39 =	vor.u32 s22, v0;
	s22 =	smov.u32 s26;
	[tilespmem:v33+s12+$0x0] =	vst.idx.msk $0xffff, v13  }
0x81: {  	v31 =	vmul.f32 v31, v3;
	v33 =	vadd.f32 $1.000000000e+00, v35;
	v35 =	vadd.f32 v37, v9;
	v13 =	vmovc v32  }
0x82: {  	v28 =	vshrl.u32 v28, $0x2;
	v36 =	vadd.f32 $1.000000000e+00, v36;
	v32 =	vadd.f32 v27, v34  }
0x83: {  	v21 =	vadd.f32 v21, v9;
	v37 =	vadd.f32 v38, v8;
	v33 =	vmul.f32 $6.400000000e+01, v33  }
0x84: {  	v31 =	vadd.f32 v31, v8;
	v36 =	vmul.f32 $6.400000000e+01, v36;
	v32 =	vmul.f32 $5.000000000e-01, v32  }
0x85: {  	v24 =	vadd.f32 $1.000000000e+00, v24;
	v33 =	vtrunc.f32 v33;
	v28 =	vshrl.u32 v29, v28  }
0x86: {  	v21 =	vadd.f32 $1.000000000e+00, v21;
	v29 =	vcvt.f32.s32 v33;
	v28 =	vand.u32 $0x1, v28  }
0x87: {  	v30 =	vadd.f32 $1.000000000e+00, v30;
	v20 =	vshrl.u32 v20, v22;
	v33 =	vtrunc.f32 v36  }
0x88: {  	v22 =	vcvt.f32.s32 v33;
	v33 =	vand.u32 $0x1, v20;
	vm1 =	vgt.s32 v29, $0x0  }
0x89: {  	v36 =	vadd.f32 $1.000000000e+00, v37;
	v20 =	vnsel vm1, $0x0, v29;
	v29 =	vmul.f32 $6.400000000e+01, v30  }
0x8a: {  	vm2 =	veq.s32 v28, $0x1;
	vm1 =	vgt.s32 v22, $0x0;
	v30 =	vmin.u32 v20, $0x7F  }
0x8b: {  	v22 =	vnsel vm1, $0x0, v22;
	vm1 =	vmand vm0, vm2;
	v20 =	vshll.u32 v30, $0x7  }
0x8c: {  	v28 =	vmul.f32 $6.400000000e+01, v21;
	v37 =	vnsel vm1, $0x0, v11;
	v11 =	vmovc v27;
	v20 =	vand.u32 $0x180, v20  }
0x8d: {  	v31 =	vadd.f32 $1.000000000e+00, v31;
	v27 =	vmul.f32 $6.400000000e+01, v36;
	v29 =	vtrunc.f32 v29  }
0x8e: {  	vm2 =	veq.s32 v33, $0x1;
	v36 =	vadd.f32 v40, v8;
	v21 =	vmin.u32 v22, $0x7F  }
0x8f: {  	v22 =	vmul.f32 $6.400000000e+01, v24;
	v24 =	vtrunc.f32 v27;
	v27 =	vadd.f32 $1.000000000e+00, v35  }
0x90: {  	v35 =	vadd.f32 $1.000000000e+00, v36;
	v33 =	vcvt.f32.s32 v24;
	v24 =	vcvt.f32.s32 v29  }
0x91: {  	v31 =	vmul.f32 $6.400000000e+01, v31;
	vm2 =	vmand vm0, vm2;
	v29 =	vmul.f32 v32, v4  }
0x92: {  	v22 =	vtrunc.f32 v22;
	v27 =	vmul.f32 $6.400000000e+01, v27;
	vm3 =	vgt.s32 v24, $0x0  }
0x93: {  	v28 =	vtrunc.f32 v28;
	v36 =	vnsel vm1, $0x0, v14;
	v14 =	vmovc v34;
	v24 =	vnsel vm3, $0x0, v24  }
0x94: {  	v34 =	vnsel vm2, $0x0, v6;
	v6 =	vmovc v26;
	v27 =	vtrunc.f32 v27;
	v24 =	vmin.u32 v24, $0x7F;
	[tilespmem:v39+s12+$0x0] =	vst.idx.msk $0xffff, v36  }
0x95: {  	v26 =	vtrunc.f32 v31;
	v22 =	vcvt.f32.s32 v22;
	v31 =	vshll.u32 v24, $0x7;
	[tilespmem:v23+s12+$0x0] =	vst.idx.msk $0xffff, v34  }
0x96: {  	v23 =	vcvt.f32.s32 v26;
	v26 =	vand.u32 $0x180, v31;
	[tilespmem:v19+s12+$0x0] =	vst.idx.msk $0xffff, v37;
	v19 =	vnsel vm2, $0x0, v5;
	v5 =	vmovc v25  }
0x97: {  	v28 =	vcvt.f32.s32 v28;
	vm1 =	vgt.s32 v22, $0x0;
	v31 =	vmul.f32 v32, v3;
	[tilespmem:v18+s12+$0x0] =	vst.idx.msk $0xffff, v19  }
0x98: {  	v18 =	vnsel vm1, $0x0, v22;
	vm1 =	vgt.s32 v23, $0x0;
	v19 =	vcvt.f32.s32 v27  }
0x99: {  	vm2 =	vgt.s32 v28, $0x0;
	v25 =	vmin.u32 v18, $0x7F;
	v18 =	vnsel vm1, $0x0, v23  }
0x9a: {  	v22 =	vnsel vm2, $0x0, v28;
	vm1 =	vgt.s32 v33, $0x0;
	v18 =	vmin.u32 v18, $0x7F  }
0x9b: {  	v23 =	vmin.u32 v22, $0x7F;
	v27 =	vshll.u32 v25, $0x7;
	v18 =	vor.u32 v18, v26  }
0x9c: {  	v22 =	vshrl.u32 v30, $0x2;
	vm2 =	vgt.s32 v19, $0x0;
	v18 =	vshll.u32 v18, $0x7  }
0x9d: {  	v28 =	vmul.f32 v32, v2;
	v30 =	vadd.f32 v31, v8;
	v26 =	vnsel vm1, $0x0, v33  }
0x9e: {  	v29 =	vadd.f32 v29, v9;
	v27 =	vand.u32 $0x180, v27;
	v26 =	vmin.u32 v26, $0x7F  }
0x9f: {  	v26 =	vor.u32 v26, v27;
	v27 =	vadd.f32 v28, v7;
	v28 =	vadd.f32 $1.000000000e+00, v30  }
0xa0: {  	v29 =	vadd.f32 $1.000000000e+00, v29;
	v30 =	vmul.f32 $6.400000000e+01, v35;
	v26 =	vshll.u32 v26, $0x7  }
0xa1: {  	v23 =	vor.u32 v23, v26;
	v26 =	vadd.f32 $1.000000000e+00, v27;
	v27 =	vmul.f32 $6.400000000e+01, v28  }
0xa2: {  	v19 =	vnsel vm2, $0x0, v19;
	v28 =	vtrunc.f32 v30  }
0xa3: {  	v29 =	vmul.f32 $6.400000000e+01, v29;
	v19 =	vmin.u32 v19, $0x7F;
	v27 =	vtrunc.f32 v27  }
.Ltmp0:
0xa4: {  	v32 =	vcvt.f32.s32 v28;
	v30 =	vcvt.f32.s32 v27;
	v27 =	vor.u32 v19, v18;
	(pc) =	sbr.rel @p1 .LBB2_3-.Ltmp0, $4  }
0xa5: {  	v26 =	vmul.f32 $6.400000000e+01, v26;
	v19 =	vtrunc.f32 v29;
	v18 =	vor.u32 s24, v1  }
0xa6: {  	v29 =	vcvt.f32.s32 v19;
	v19 =	vor.u32 s22, v1;
	vm1 =	vgt.s32 v30, $0x0;
	v28 =	vld.idx.msk [tilespmem:v23+s3+$0x0], $0xffff  }
0xa7: {  	vm2 =	vgt.s32 v32, $0x0;
	v31 =	vtrunc.f32 v26;
	v23 =	vor.u32 s24, v0  }
0xa8: {  	s28 =	smov.u32 s25;
	v26 =	vnsel vm2, $0x0, v32;
	v30 =	vnsel vm1, $0x0, v30;
	vm1 =	vgt.s32 v29, $0x0  }
0xa9: {  	v2 =	vcvt.f32.s32 v31;
	_ =	sdelay $0x1  }
0xaa: {  	vm2 =	vgt.s32 v2, $0x0  }
0xab: {  	v2 =	vnsel vm2, $0x0, v2  }
0xac: {  	v2 =	vmin.u32 v2, $0x7F  }
0xad: {  	v3 =	vshll.u32 v2, $0x7  }
0xae: {  	v4 =	vmin.u32 v30, $0x7F;
	v3 =	vand.u32 $0x180, v3  }
0xaf: {  	v7 =	vnsel vm1, $0x0, v29;
	v3 =	vor.u32 v4, v3;
	v4 =	vmin.u32 v26, $0x7F  }
0xb0: {  	v7 =	vmin.u32 v7, $0x7F;
	v4 =	vor.u32 v4, v20;
	v3 =	vshll.u32 v3, $0x7  }
0xb1: {  	v4 =	vshll.u32 v4, $0x7;
	v3 =	vor.u32 v7, v3  }
0xb2: {  	v4 =	vor.u32 v21, v4  }
0xb3: {  	v8 =	vld.idx.msk [tilespmem:v27+s3+$0x0], $0xffff;
	_ =	sdelay $0x1  }
0xb4: {  	v7 =	vshrl.u32 v25, $0x2  }
0xb5: {  	v9 =	vor.u32 s23, v1;
	v7 =	vshrl.u32 v28, v7;
	v3 =	vld.idx.msk [tilespmem:v3+s3+$0x0], $0xffff  }
0xb6: {  	v15 =	vor.u32 s23, v0;
	v16 =	vshrl.u32 v24, $0x2;
	v7 =	vand.u32 $0x1, v7;
	v4 =	vld.idx.msk [tilespmem:v4+s3+$0x0], $0xffff  }
0xb7: {  	v8 =	vshrl.u32 v8, v16;
	v2 =	vshrl.u32 v2, $0x2;
	vm1 =	veq.s32 v7, $0x1  }
0xb8: {  	v8 =	vand.u32 $0x1, v8;
	v20 =	vor.u32 s21, v0;
	vm1 =	vmand vm0, vm1  }
0xb9: {  	v7 =	vor.u32 s21, v1;
	v17 =	vnsel vm1, $0x0, v17;
	v12 =	vnsel vm1, $0x0, v12  }
0xba: {  	vm1 =	veq.s32 v8, $0x1;
	v8 =	vor.u32 s22, v0;
	v2 =	vshrl.u32 v3, v2  }
0xbb: {  	[tilespmem:v15+s12+$0x0] =	vst.idx.msk $0xffff, v17;
	vm1 =	vmand vm0, vm1;
	v2 =	vand.u32 $0x1, v2;
	v3 =	vshrl.u32 v4, v22  }
0xbc: {  	[tilespmem:v9+s12+$0x0] =	vst.idx.msk $0xffff, v12;
	v4 =	vnsel vm1, $0x0, v10;
	v3 =	vand.u32 $0x1, v3;
	vm2 =	veq.s32 v2, $0x1  }
0xbd: {  	v2 =	vnsel vm1, $0x0, v13;
	[tilespmem:v20+s12+$0x0] =	vst.idx.msk $0xffff, v4;
	vm1 =	vmand vm0, vm2;
	vm2 =	veq.s32 v3, $0x1  }
0xbe: {  	[tilespmem:v7+s12+$0x0] =	vst.idx.msk $0xffff, v2;
	vm0 =	vmand vm0, vm2;
	v2 =	vnsel vm1, $0x0, v14  }
0xbf: {  	[tilespmem:v8+s12+$0x0] =	vst.idx.msk $0xffff, v2;
	v2 =	vnsel vm0, $0x0, v6  }
0xc0: {  	s0 =	sadd.s32 s4, s20;
	v3 =	vnsel vm1, $0x0, v11;
	[tilespmem:v23+s12+$0x0] =	vst.idx.msk $0xffff, v2  }
0xc1: {  	s0 =	sshll.u32 s0, $0x5;
	[tilespmem:v19+s12+$0x0] =	vst.idx.msk $0xffff, v3;
	v2 =	vnsel vm0, $0x0, v5  }
0xc2: {  	s0 =	sadd.s32 s2, s0;
	[tilespmem:v18+s12+$0x0] =	vst.idx.msk $0xffff, v2  }
0xc3: {  	[hbm4b:s0+s3] =	stream.linear.scatter [tilespmem:s12], [sflag:$0x1], $0x1000, $0x38;
	[tilespmem:$0x16000] =	vst v63  }
0xc4: {  	s0 =	simm.s32 @!p0 $0x2  }
0xc5: {  	_ =	swait.ge @!p0 [sflag:s0], $0x1000  }
0xc6: {  	s1 =	sand.u32 $0x70, s18;
	[sflag:s0] =	ssyncset.done @!p0 $0x0  }
0xc7: {  	s21 =	sor.u32 s19, s1;
	[sflag:s0] =	ssyncadd.s32 @!p0 $0xFFFFF000  }
0xc8: {  	s1 =	sor.u32 $0x12080, s21;
	v2 =	vld [tilespmem:s21+$0x12000]  }
0xc9: {  	s22 =	sor.u32 $0x12100, s21;
	v3 =	vld [tilespmem:s1+$0x0]  }
0xca: {  	v4 =	vld [tilespmem:s22+$0x0];
	_ =	sdelay $0x2  }
0xcb: {  	v5 =	vand.u32 $0x7FFFFFFF, v2  }
0xcc: {  	vm0 =	vlt.f32 v5, $9.999999930e-09;
	v5 =	vand.u32 $0x7FFFFFFF, v3  }
0xcd: {  	v6 =	vsel vm0, $0x322BCC77, v2;
	vm0 =	vlt.f32 v5, $9.999999930e-09;
	v5 =	vand.u32 $0x7FFFFFFF, v4  }
0xce: {  	v7 =	vsel vm0, $0x322BCC77, v3;
	vm0 =	vlt.f32 v5, $9.999999930e-09;
	(erf) = vrcp.f32 v6  }
0xcf: {  	s23 =	sor.u32 $0x10080, s21;
	v5 =	vsel vm0, $0x322BCC77, v4;
	(erf) = vrcp.f32 v7  }
0xd0: {  	v8 =	vld [tilespmem:s23+$0x0];
	(erf) = vrcp.f32 v5  }
0xd1: {  	s0 =	sor.u32 $0x10100, s21;
	v6 =	vld [tilespmem:s21+$0x10000]  }
0xd2: {  	v9 =	vld [tilespmem:s0+$0x0];
	_ =	sdelay $0x2  }
0xd3: {  	v11 =	vsub.f32 $-1.000000000e+00, v8  }
0xd4: {  	v5 =	vsub.f32 $-1.000000000e+00, v6;
	v7 =	vsub.f32 $1.000000000e+00, v6  }
0xd5: {  	v12 =	vsub.f32 $1.000000000e+00, v8;
	v14 =	vsub.f32 $1.000000000e+00, v9;
	v10 =	vpop (erf)  }
0xd6: {  	v13 =	vpop (erf);
	v5 =	vmul.f32 v10, v5;
	v7 =	vmul.f32 v10, v7;
	v10 =	vsub.f32 $-1.000000000e+00, v9  }
0xd7: {  	s19 =	simm.s32 $0x3;
	v11 =	vmul.f32 v13, v11;
	v12 =	vmul.f32 v13, v12;
	v13 =	vpop (erf)  }
0xd8: {  	s10 =	scvt.s32.f32 s19;
	v10 =	vmul.f32 v13, v10;
	v13 =	vmul.f32 v13, v14  }
0xd9: {  	s22 =	simm.s32 $0x2;
	v14 =	vmin.f32 v5, v7;
	v5 =	vmax.f32 v5, v7;
	v15 =	vmin.f32 v11, v12  }
0xda: {  	s28 =	sadd.f32 $1.000000000e+00, s10;
	s25 =	scvt.s32.f32 s22;
	s21 =	simm.s32 $0x0;
	v7 =	vmax.f32 v11, v12;
	v14 =	vmax.f32 v14, v15;
	v15 =	vmin.f32 v10, v13  }
0xdb: {  	s24 =	scvt.s32.f32 s21;
	v5 =	vmin.f32 v5, v7;
	v7 =	vmax.f32 v10, v13;
	v11 =	vmax.f32 v14, v15  }
0xdc: {  	s29 =	smul.f32 $7.812500000e-03, s28;
	s26 =	sadd.f32 $1.000000000e+00, s25;
	v5 =	vclamp.gez.f32 v5, v7;
	v10 =	vmax.f32 v11, $0.0e+00  }
0xdd: {  	s1 =	smul.f32 $7.812500000e-03, s25;
	s0 =	sadd.f32 $1.000000000e+00, s24;
	v11 =	vmin.f32 v5, $1.000000000e+10;
	v15 =	vmin.f32 v10, $1.000000000e+10  }
0xde: {  	s20 =	smul.f32 $7.812500000e-03, s26;
	v16 =	vsub.f32 v11, v15  }
0xdf: {  	s0 =	smul.f32 $7.812500000e-03, s0  }
0xe0: {  	s11 =	smul.f32 $7.812500000e-03, s24;
	v5 =	vmul.f32 s1, v16  }
0xe1: {  	s10 =	smul.f32 $7.812500000e-03, s10;
	v10 =	vmul.f32 s20, v16;
	v12 =	vmul.f32 s0, v16;
	s20 =	simm.s32 $0x1  }
0xe2: {  	v13 =	vmul.f32 s11, v16;
	v14 =	vmul.f32 s29, v16;
	s30 =	scvt.s32.f32 s20;
	v7 =	vadd.f32 v5, v15  }
0xe3: {  	v5 =	vadd.f32 v10, v15;
	v10 =	vmul.f32 s10, v16;
	v12 =	vadd.f32 v12, v15  }
0xe4: {  	v17 =	vadd.f32 v13, v15;
	v13 =	vadd.f32 v14, v15;
	s31 =	sadd.f32 $1.000000000e+00, s30  }
0xe5: {  	v18 =	vadd.f32 v5, v7;
	v10 =	vadd.f32 v10, v15  }
0xe6: {  	v14 =	vadd.f32 v12, v17;
	s0 =	smul.f32 $7.812500000e-03, s31  }
0xe7: {  	v18 =	vmul.f32 $5.000000000e-01, v18;
	v19 =	vadd.f32 v13, v10  }
0xe8: {  	vm0 =	vgt.f32 v11, v15;
	v20 =	vmul.f32 $5.000000000e-01, v14;
	v11 =	vmul.f32 s0, v16  }
0xe9: {  	v14 =	vmul.f32 v18, v2;
	v19 =	vmul.f32 $5.000000000e-01, v19  }
0xea: {  	v22 =	vmul.f32 v20, v2;
	v24 =	vmul.f32 v18, v4  }
0xeb: {  	v25 =	vmul.f32 v20, v3;
	v18 =	vmul.f32 v18, v3  }
0xec: {  	s1 =	smul.f32 $7.812500000e-03, s30;
	v20 =	vmul.f32 v20, v4;
	v11 =	vadd.f32 v11, v15;
	v14 =	vadd.f32 v14, v6  }
0xed: {  	v23 =	vmul.f32 v19, v2;
	v22 =	vadd.f32 v22, v6;
	v24 =	vadd.f32 v24, v9  }
0xee: {  	v21 =	vmul.f32 s1, v16;
	v20 =	vadd.f32 v20, v9;
	v18 =	vadd.f32 v18, v8  }
0xef: {  	v26 =	vadd.f32 $1.000000000e+00, v14;
	v23 =	vadd.f32 v23, v6  }
0xf0: {  	v14 =	vadd.f32 v21, v15;
	v21 =	vmul.f32 v19, v4;
	v24 =	vadd.f32 $1.000000000e+00, v24  }
0xf1: {  	v19 =	vmul.f32 v19, v3;
	v22 =	vadd.f32 $1.000000000e+00, v22;
	v20 =	vadd.f32 $1.000000000e+00, v20  }
0xf2: {  	v18 =	vadd.f32 $1.000000000e+00, v18;
	v26 =	vmul.f32 $6.400000000e+01, v26;
	v27 =	vadd.f32 v21, v9  }
0xf3: {  	v21 =	vadd.f32 v11, v14;
	v24 =	vmul.f32 $6.400000000e+01, v24;
	v29 =	vmul.f32 $6.400000000e+01, v20  }
0xf4: {  	v23 =	vadd.f32 $1.000000000e+00, v23;
	v22 =	vmul.f32 $6.400000000e+01, v22;
	v18 =	vmul.f32 $6.400000000e+01, v18  }
0xf5: {  	v26 =	vtrunc.f32 v26;
	v28 =	vmul.f32 $5.000000000e-01, v21  }
0xf6: {  	v21 =	vtrunc.f32 v24;
	v23 =	vmul.f32 $6.400000000e+01, v23  }
0xf7: {  	v22 =	vtrunc.f32 v22;
	v29 =	vtrunc.f32 v29  }
0xf8: {  	v19 =	vadd.f32 v19, v8;
	v18 =	vtrunc.f32 v18;
	v26 =	vcvt.f32.s32 v26  }
0xf9: {  	v25 =	vadd.f32 v25, v8;
	v21 =	vcvt.f32.s32 v21;
	v22 =	vcvt.f32.s32 v22  }
0xfa: {  	v19 =	vadd.f32 $1.000000000e+00, v19;
	v29 =	vcvt.f32.s32 v29;
	v63 =	vcvt.f32.s32 v18  }
0xfb: {  	v25 =	vadd.f32 $1.000000000e+00, v25;
	v23 =	vtrunc.f32 v23;
	v30 =	vmul.f32 v28, v4  }
0xfc: {  	v18 =	vor.u32 s22, v1;
	v19 =	vmul.f32 $6.400000000e+01, v19;
	v32 =	vmul.f32 v28, v3  }
0xfd: {  	v28 =	vmul.f32 v28, v2;
	vm1 =	vgt.s32 v26, $0x0;
	v23 =	vcvt.f32.s32 v23  }
0xfe: {  	vm2 =	vgt.s32 v29, $0x0;
	v24 =	vnsel vm1, $0x0, v26;
	vm1 =	vgt.s32 v21, $0x0  }
0xff: {  	v19 =	vtrunc.f32 v19;
	v30 =	vadd.f32 v30, v9;
	v26 =	vmin.u32 v24, $0x7F  }
0x100: {  	v21 =	vnsel vm1, $0x0, v21;
	vm1 =	vgt.s32 v23, $0x0;
	v24 =	vshll.u32 v26, $0x7  }
0x101: {  	v20 =	vand.u32 $0x180, v24;
	v24 =	vmul.f32 $6.400000000e+01, v25;
	v25 =	vadd.f32 $1.000000000e+00, v27  }
0x102: {  	v28 =	vadd.f32 v28, v6;
	v19 =	vcvt.f32.s32 v19;
	v23 =	vnsel vm1, $0x0, v23  }
0x103: {  	vm1 =	vgt.s32 v22, $0x0;
	v24 =	vtrunc.f32 v24;
	v25 =	vmul.f32 $6.400000000e+01, v25  }
0x104: {  	v22 =	vnsel vm1, $0x0, v22;
	v27 =	vcvt.f32.s32 v24;
	v24 =	vmin.u32 v23, $0x7F  }
0x105: {  	vm1 =	vgt.s32 v19, $0x0;
	v23 =	vtrunc.f32 v25;
	v25 =	vshll.u32 v24, $0x7  }
0x106: {  	v31 =	vand.u32 $0x180, v25;
	v25 =	vmin.u32 v22, $0x7F;
	v22 =	vnsel vm2, $0x0, v29  }
0x107: {  	v19 =	vnsel vm1, $0x0, v19;
	vm1 =	vgt.s32 v27, $0x0;
	v29 =	vmin.u32 v22, $0x7F  }
0x108: {  	v22 =	vshrl.u32 v26, $0x2;
	v26 =	vnsel vm1, $0x0, v27;
	v27 =	vadd.f32 v32, v8  }
0x109: {  	v21 =	vmin.u32 v21, $0x7F;
	v30 =	vadd.f32 $1.000000000e+00, v30;
	v19 =	vmin.u32 v19, $0x7F  }
0x10a: {  	v23 =	vcvt.f32.s32 v23;
	v33 =	vshll.u32 v25, $0x7;
	v27 =	vadd.f32 $1.000000000e+00, v27  }
0x10b: {  	v19 =	vor.u32 v19, v31;
	v26 =	vmin.u32 v26, $0x7F;
	v31 =	vand.u32 $0x180, v33  }
0x10c: {  	vm2 =	vgt.s32 v23, $0x0;
	v26 =	vor.u32 v26, v31;
	v27 =	vmul.f32 $6.400000000e+01, v27  }
0x10d: {  	v28 =	vadd.f32 $1.000000000e+00, v28;
	v23 =	vnsel vm2, $0x0, v23;
	v26 =	vshll.u32 v26, $0x7  }
0x10e: {  	v26 =	vor.u32 v29, v26;
	v29 =	vmul.f32 $6.400000000e+01, v30;
	v27 =	vtrunc.f32 v27  }
0x10f: {  	v19 =	vshll.u32 v19, $0x7;
	v23 =	vmin.u32 v23, $0x7F;
	v30 =	vcvt.f32.s32 v27  }
0x110: {  	v27 =	vor.u32 v23, v19;
	v23 =	vmul.f32 $6.400000000e+01, v28;
	v19 =	vtrunc.f32 v29  }
0x111: {  	vm2 =	vgt.s32 v63, $0x0;
	v29 =	vcvt.f32.s32 v19;
	v19 =	vor.u32 s20, v1  }
0x112: {  	vm1 =	vgt.s32 v30, $0x0;
	v31 =	vtrunc.f32 v23;
	v23 =	vor.u32 s22, v0  }
0x113: {  	s25 =	simm.s32 $0x4;
	v28 =	vld.idx.msk [tilespmem:v26+s3+$0x0], $0xffff;
	v26 =	vnsel vm2, $0x0, v63;
	v30 =	vnsel vm1, $0x0, v30;
	vm1 =	vgt.s32 v29, $0x0  }
.LBB2_5:
0x114: {  	s24 =	sadd.s32 $0x1, s25  }
0x115: {  	s22 =	sadd.s32 $0x2, s25;
	s0 =	sadd.s32 $0x3, s25;
	v32 =	vor.u32 s21, v1;
	v31 =	vcvt.f32.s32 v31;
	v33 =	vor.u32 s19, v1;
	s1 =	smov.u32 s25  }
0x116: {  	s23 =	sadd.s32 $0x4, s25;
	v34 =	vor.u32 s21, v0;
	v30 =	vmin.u32 v30, $0x7F;
	v35 =	vor.u32 s19, v0;
	s10 =	scvt.s32.f32 s1;
	s11 =	scvt.s32.f32 s0  }
0x117: {  	p0 =	slt.u32 s25, $0x7C;
	v25 =	vshrl.u32 v25, $0x2;
	v29 =	vnsel vm1, $0x0, v29;
	s26 =	scvt.s32.f32 s24;
	s28 =	scvt.s32.f32 s22;
	vm2 =	vgt.s32 v31, $0x0  }
0x118: {  	v29 =	vmin.u32 v29, $0x7F;
	s19 =	smov.u32 s0;
	v25 =	vshrl.u32 v28, v25;
	s25 =	smul.f32 $7.812500000e-03, s10;
	s10 =	sadd.f32 $1.000000000e+00, s10;
	v28 =	vnsel vm2, $0x0, v31;
	v27 =	vld.idx.msk [tilespmem:v27+s3+$0x0], $0xffff  }
0x119: {  	v24 =	vshrl.u32 v24, $0x2;
	s21 =	smov.u32 s1;
	s0 =	sadd.f32 $1.000000000e+00, s26;
	s29 =	smul.f32 $7.812500000e-03, s11;
	v25 =	vand.u32 $0x1, v25;
	v28 =	vmin.u32 v28, $0x7F  }
0x11a: {  	vm1 =	veq.s32 v25, $0x1;
	v31 =	vmul.f32 s25, v16;
	s1 =	smul.f32 $7.812500000e-03, s10;
	s10 =	sadd.f32 $1.000000000e+00, s11;
	v25 =	vshll.u32 v28, $0x7  }
0x11b: {  	s11 =	smul.f32 $7.812500000e-03, s28;
	s25 =	sadd.f32 $1.000000000e+00, s28;
	v36 =	vmul.f32 s29, v16;
	vm1 =	vmand vm0, vm1;
	v25 =	vand.u32 $0x180, v25  }
0x11c: {  	v17 =	vnsel vm1, $0x0, v17;
	v37 =	vmul.f32 s1, v16;
	s1 =	smul.f32 $7.812500000e-03, s10;
	v30 =	vor.u32 v30, v25  }
0x11d: {  	s0 =	smul.f32 $7.812500000e-03, s0;
	v38 =	vnsel vm1, $0x0, v12;
	v25 =	vmul.f32 s11, v16;
	v36 =	vadd.f32 v36, v15;
	[tilespmem:v34+s13+$0x0] =	vst.idx.msk $0xffff, v17  }
0x11e: {  	s10 =	smul.f32 $7.812500000e-03, s25;
	v24 =	vshrl.u32 v27, v24;
	v12 =	vadd.f32 v37, v15;
	v34 =	vmul.f32 s1, v16;
	[tilespmem:v32+s13+$0x0] =	vst.idx.msk $0xffff, v38  }
0x11f: {  	v26 =	vmin.u32 v26, $0x7F;
	v17 =	vadd.f32 v31, v15;
	v27 =	vmul.f32 s0, v16;
	s1 =	smul.f32 $7.812500000e-03, s26  }
0x120: {  	v20 =	vor.u32 v26, v20;
	v31 =	vmul.f32 s10, v16;
	v32 =	vadd.f32 v34, v15  }
0x121: {  	v20 =	vshll.u32 v20, $0x7;
	v27 =	vadd.f32 v27, v15;
	v34 =	vadd.f32 v12, v17  }
0x122: {  	v20 =	vor.u32 v21, v20;
	v26 =	vadd.f32 v25, v15;
	v25 =	vadd.f32 v31, v15  }
0x123: {  	v30 =	vshll.u32 v30, $0x7;
	v21 =	vmul.f32 $5.000000000e-01, v34;
	v31 =	vadd.f32 v32, v36  }
0x124: {  	v29 =	vor.u32 v29, v30;
	v34 =	vmul.f32 s1, v16;
	v37 =	vadd.f32 v25, v26  }
0x125: {  	v24 =	vand.u32 $0x1, v24;
	v30 =	vmul.f32 v21, v2;
	v31 =	vmul.f32 $5.000000000e-01, v31  }
0x126: {  	vm1 =	veq.s32 v24, $0x1;
	v38 =	vmul.f32 v21, v3;
	v37 =	vmul.f32 $5.000000000e-01, v37  }
0x127: {  	vm1 =	vmand vm0, vm1;
	v24 =	vadd.f32 v30, v6;
	v30 =	vmul.f32 v31, v2;
	v20 =	vld.idx.msk [tilespmem:v20+s3+$0x0], $0xffff  }
0x128: {  	v41 =	vnsel vm1, $0x0, v10;
	v10 =	vmovc v36;
	v39 =	vmul.f32 v37, v2;
	v40 =	vmul.f32 v37, v3  }
0x129: {  	v13 =	vnsel vm1, $0x0, v13;
	v36 =	vmul.f32 v37, v4;
	v30 =	vadd.f32 v30, v6;
	[tilespmem:v35+s13+$0x0] =	vst.idx.msk $0xffff, v41  }
0x12a: {  	v34 =	vadd.f32 v34, v15;
	v37 =	vmul.f32 v31, v4;
	v35 =	vadd.f32 v39, v6;
	v29 =	vld.idx.msk [tilespmem:v29+s3+$0x0], $0xffff  }
0x12b: {  	v21 =	vmul.f32 v21, v4;
	v36 =	vadd.f32 v36, v9;
	v39 =	vor.u32 s20, v0;
	s20 =	smov.u32 s24;
	[tilespmem:v33+s13+$0x0] =	vst.idx.msk $0xffff, v13  }
0x12c: {  	v31 =	vmul.f32 v31, v3;
	v33 =	vadd.f32 $1.000000000e+00, v35;
	v35 =	vadd.f32 v37, v9;
	v13 =	vmovc v32  }
0x12d: {  	v28 =	vshrl.u32 v28, $0x2;
	v36 =	vadd.f32 $1.000000000e+00, v36;
	v32 =	vadd.f32 v27, v34  }
0x12e: {  	v21 =	vadd.f32 v21, v9;
	v37 =	vadd.f32 v38, v8;
	v33 =	vmul.f32 $6.400000000e+01, v33  }
0x12f: {  	v31 =	vadd.f32 v31, v8;
	v36 =	vmul.f32 $6.400000000e+01, v36;
	v32 =	vmul.f32 $5.000000000e-01, v32  }
0x130: {  	v24 =	vadd.f32 $1.000000000e+00, v24;
	v33 =	vtrunc.f32 v33;
	v28 =	vshrl.u32 v29, v28  }
0x131: {  	v21 =	vadd.f32 $1.000000000e+00, v21;
	v29 =	vcvt.f32.s32 v33;
	v28 =	vand.u32 $0x1, v28  }
0x132: {  	v30 =	vadd.f32 $1.000000000e+00, v30;
	v20 =	vshrl.u32 v20, v22;
	v33 =	vtrunc.f32 v36  }
0x133: {  	v22 =	vcvt.f32.s32 v33;
	v33 =	vand.u32 $0x1, v20;
	vm1 =	vgt.s32 v29, $0x0  }
0x134: {  	v36 =	vadd.f32 $1.000000000e+00, v37;
	v20 =	vnsel vm1, $0x0, v29;
	v29 =	vmul.f32 $6.400000000e+01, v30  }
0x135: {  	vm2 =	veq.s32 v28, $0x1;
	vm1 =	vgt.s32 v22, $0x0;
	v30 =	vmin.u32 v20, $0x7F  }
0x136: {  	v22 =	vnsel vm1, $0x0, v22;
	vm1 =	vmand vm0, vm2;
	v20 =	vshll.u32 v30, $0x7  }
0x137: {  	v28 =	vmul.f32 $6.400000000e+01, v21;
	v37 =	vnsel vm1, $0x0, v11;
	v11 =	vmovc v27;
	v20 =	vand.u32 $0x180, v20  }
0x138: {  	v31 =	vadd.f32 $1.000000000e+00, v31;
	v27 =	vmul.f32 $6.400000000e+01, v36;
	v29 =	vtrunc.f32 v29  }
0x139: {  	vm2 =	veq.s32 v33, $0x1;
	v36 =	vadd.f32 v40, v8;
	v21 =	vmin.u32 v22, $0x7F  }
0x13a: {  	v22 =	vmul.f32 $6.400000000e+01, v24;
	v24 =	vtrunc.f32 v27;
	v27 =	vadd.f32 $1.000000000e+00, v35  }
0x13b: {  	v35 =	vadd.f32 $1.000000000e+00, v36;
	v33 =	vcvt.f32.s32 v24;
	v24 =	vcvt.f32.s32 v29  }
0x13c: {  	v31 =	vmul.f32 $6.400000000e+01, v31;
	vm2 =	vmand vm0, vm2;
	v29 =	vmul.f32 v32, v4  }
0x13d: {  	v22 =	vtrunc.f32 v22;
	v27 =	vmul.f32 $6.400000000e+01, v27;
	vm3 =	vgt.s32 v24, $0x0  }
0x13e: {  	v28 =	vtrunc.f32 v28;
	v36 =	vnsel vm1, $0x0, v14;
	v14 =	vmovc v34;
	v24 =	vnsel vm3, $0x0, v24  }
0x13f: {  	v34 =	vnsel vm2, $0x0, v7;
	v7 =	vmovc v26;
	v27 =	vtrunc.f32 v27;
	v24 =	vmin.u32 v24, $0x7F;
	[tilespmem:v39+s13+$0x0] =	vst.idx.msk $0xffff, v36  }
0x140: {  	v26 =	vtrunc.f32 v31;
	v22 =	vcvt.f32.s32 v22;
	v31 =	vshll.u32 v24, $0x7;
	[tilespmem:v23+s13+$0x0] =	vst.idx.msk $0xffff, v34  }
0x141: {  	v23 =	vcvt.f32.s32 v26;
	v26 =	vand.u32 $0x180, v31;
	[tilespmem:v19+s13+$0x0] =	vst.idx.msk $0xffff, v37;
	v19 =	vnsel vm2, $0x0, v5;
	v5 =	vmovc v25  }
0x142: {  	v28 =	vcvt.f32.s32 v28;
	vm1 =	vgt.s32 v22, $0x0;
	v31 =	vmul.f32 v32, v3;
	[tilespmem:v18+s13+$0x0] =	vst.idx.msk $0xffff, v19  }
0x143: {  	v18 =	vnsel vm1, $0x0, v22;
	vm1 =	vgt.s32 v23, $0x0;
	v19 =	vcvt.f32.s32 v27  }
0x144: {  	vm2 =	vgt.s32 v28, $0x0;
	v25 =	vmin.u32 v18, $0x7F;
	v18 =	vnsel vm1, $0x0, v23  }
0x145: {  	v22 =	vnsel vm2, $0x0, v28;
	vm1 =	vgt.s32 v33, $0x0;
	v18 =	vmin.u32 v18, $0x7F  }
0x146: {  	v23 =	vmin.u32 v22, $0x7F;
	v27 =	vshll.u32 v25, $0x7;
	v18 =	vor.u32 v18, v26  }
0x147: {  	v22 =	vshrl.u32 v30, $0x2;
	vm2 =	vgt.s32 v19, $0x0;
	v18 =	vshll.u32 v18, $0x7  }
0x148: {  	v28 =	vmul.f32 v32, v2;
	v30 =	vadd.f32 v31, v8;
	v26 =	vnsel vm1, $0x0, v33  }
0x149: {  	v29 =	vadd.f32 v29, v9;
	v27 =	vand.u32 $0x180, v27;
	v26 =	vmin.u32 v26, $0x7F  }
0x14a: {  	v26 =	vor.u32 v26, v27;
	v27 =	vadd.f32 v28, v6;
	v28 =	vadd.f32 $1.000000000e+00, v30  }
0x14b: {  	v29 =	vadd.f32 $1.000000000e+00, v29;
	v30 =	vmul.f32 $6.400000000e+01, v35;
	v26 =	vshll.u32 v26, $0x7  }
0x14c: {  	v23 =	vor.u32 v23, v26;
	v26 =	vadd.f32 $1.000000000e+00, v27;
	v27 =	vmul.f32 $6.400000000e+01, v28  }
0x14d: {  	v19 =	vnsel vm2, $0x0, v19;
	v28 =	vtrunc.f32 v30  }
0x14e: {  	v29 =	vmul.f32 $6.400000000e+01, v29;
	v19 =	vmin.u32 v19, $0x7F;
	v27 =	vtrunc.f32 v27  }
.Ltmp1:
0x14f: {  	v32 =	vcvt.f32.s32 v28;
	v30 =	vcvt.f32.s32 v27;
	v27 =	vor.u32 v19, v18;
	(pc) =	sbr.rel @p0 .LBB2_5-.Ltmp1, $4  }
0x150: {  	v26 =	vmul.f32 $6.400000000e+01, v26;
	v19 =	vtrunc.f32 v29;
	v18 =	vor.u32 s22, v1  }
0x151: {  	v29 =	vcvt.f32.s32 v19;
	v19 =	vor.u32 s20, v1;
	vm1 =	vgt.s32 v30, $0x0;
	v28 =	vld.idx.msk [tilespmem:v23+s3+$0x0], $0xffff  }
0x152: {  	vm2 =	vgt.s32 v32, $0x0;
	v31 =	vtrunc.f32 v26;
	v23 =	vor.u32 s22, v0  }
0x153: {  	s25 =	smov.u32 s23;
	v26 =	vnsel vm2, $0x0, v32;
	v30 =	vnsel vm1, $0x0, v30;
	vm1 =	vgt.s32 v29, $0x0  }
0x154: {  	v2 =	vcvt.f32.s32 v31;
	_ =	sdelay $0x1  }
0x155: {  	vm2 =	vgt.s32 v2, $0x0  }
0x156: {  	v2 =	vnsel vm2, $0x0, v2  }
0x157: {  	v2 =	vmin.u32 v2, $0x7F  }
0x158: {  	v3 =	vshll.u32 v2, $0x7  }
0x159: {  	v4 =	vmin.u32 v30, $0x7F;
	v3 =	vand.u32 $0x180, v3  }
0x15a: {  	v6 =	vnsel vm1, $0x0, v29;
	v58 =	vmin.u32 v26, $0x7F;
	v3 =	vor.u32 v4, v3  }
0x15b: {  	v6 =	vmin.u32 v6, $0x7F;
	v4 =	vor.u32 v58, v20;
	v3 =	vshll.u32 v3, $0x7  }
0x15c: {  	v4 =	vshll.u32 v4, $0x7;
	v3 =	vor.u32 v6, v3  }
0x15d: {  	v4 =	vor.u32 v21, v4  }
0x15e: {  	v8 =	vld.idx.msk [tilespmem:v27+s3+$0x0], $0xffff;
	_ =	sdelay $0x2  }
0x15f: {  	v59 =	vshrl.u32 v25, $0x2;
	v9 =	vor.u32 s21, v1;
	v15 =	vor.u32 s21, v0;
	v3 =	vld.idx.msk [tilespmem:v3+s3+$0x0], $0xffff  }
0x160: {  	v60 =	vor.u32 s19, v1;
	v16 =	vshrl.u32 v24, $0x2;
	v6 =	vshrl.u32 v28, v59;
	v4 =	vld.idx.msk [tilespmem:v4+s3+$0x0], $0xffff  }
0x161: {  	v61 =	vor.u32 s19, v0;
	v8 =	vshrl.u32 v8, v16;
	v6 =	vand.u32 $0x1, v6  }
0x162: {  	v62 =	vor.u32 s20, v0;
	v8 =	vand.u32 $0x1, v8;
	vm10 =	veq.s32 v6, $0x1  }
0x163: {  	v2 =	vshrl.u32 v2, $0x2;
	vm11 =	veq.s32 v8, $0x1;
	vm1 =	vmand vm0, vm10  }
0x164: {  	v17 =	vnsel vm1, $0x0, v17;
	v12 =	vnsel vm1, $0x0, v12;
	v2 =	vshrl.u32 v3, v2  }
0x165: {  	vm1 =	vmand vm0, vm11;
	[tilespmem:v15+s13+$0x0] =	vst.idx.msk $0xffff, v17;
	v3 =	vshrl.u32 v4, v22;
	v2 =	vand.u32 $0x1, v2  }
0x166: {  	v63 =	vnsel vm1, $0x0, v10;
	[tilespmem:v9+s13+$0x0] =	vst.idx.msk $0xffff, v12;
	v3 =	vand.u32 $0x1, v3;
	vm12 =	veq.s32 v2, $0x1  }
0x167: {  	s17 =	sadd.s32 $0x1, s17;
	[tilespmem:v61+s13+$0x0] =	vst.idx.msk $0xffff, v63;
	v2 =	vnsel vm1, $0x0, v13;
	vm14 =	veq.s32 v3, $0x1;
	vm13 =	vmand vm0, vm12  }
0x168: {  	p0 =	sne.s32 s17, $0x40;
	[tilespmem:v60+s13+$0x0] =	vst.idx.msk $0xffff, v2;
	vm15 =	vmand vm0, vm14;
	v2 =	vnsel vm13, $0x0, v14  }
.Ltmp2:
0x169: {  	[tilespmem:v62+s13+$0x0] =	vst.idx.msk $0xffff, v2;
	v2 =	vnsel vm15, $0x0, v7;
	(pc) =	sbr.rel @p0 .LBB2_2-.Ltmp2, $4  }
0x16a: {  	s0 =	sadd.s32 s4, s18;
	v3 =	vnsel vm13, $0x0, v11;
	[tilespmem:v23+s13+$0x0] =	vst.idx.msk $0xffff, v2  }
0x16b: {  	s0 =	sshll.u32 s0, $0x5;
	[tilespmem:v19+s13+$0x0] =	vst.idx.msk $0xffff, v3;
	v2 =	vnsel vm15, $0x0, v5  }
0x16c: {  	s0 =	sadd.s32 s2, s0;
	[tilespmem:v18+s13+$0x0] =	vst.idx.msk $0xffff, v2  }
0x16d: {  	[hbm4b:s0+s3] =	stream.linear.scatter [tilespmem:s13], [sflag:$0x2], $0x1000, $0x38;
	[tilespmem:$0x16000] =	vst v63  }
0x16e: {  	s16 =	sadd.s32 $0x1, s16  }
0x16f: {  	_ =	swait.ge [sflag:s14], $0x1000;
	p0 =	sne.s32 s16, s8  }
.Ltmp3:
0x170: {  	[sflag:s14] =	ssyncset.done $0x0;
	(pc) =	sbr.rel @p0 .LBB2_1-.Ltmp3, $4  }
0x171: {  	[sflag:s14] =	ssyncadd.s32 $0xFFFFF000  }
0x172: {  	_ =	swait.ge [sflag:s15], $0x1000  }
0x173: {  	[sflag:s15] =	ssyncset.done $0x0  }
0x174: {  	[sflag:s15] =	ssyncadd.s32 $0xFFFFF000  }
0x175: {  	_ =	sfence.sel $0x180000  }
0x176: {  	[bflag:$0x0] =	sbarrier.arrive $0xFFFF  }
0x177: {  	_ =	strace $0x90000047  }
0x178: {  	s0 =	stileid.u32;
	[bflag:$0x2] =	sbarrier.arrive $0xFFFF  }
0x179: {  	p0 =	sne.s32 s0, $0x0;
	s0 =	rddreg [dreg:$0x4]  }
0x17a: {  	s0 =	sadd.s32 @!p0 $0x100000, s0  }
0x17b: {  	[sflag:s0] =	ssyncadd.tile.s32 @!p0 $0x1;
	_ =	shalt  }
.Lfunc_end2:
_tile_overlayer_lowered:
.L_overlay_start_2:
0x17c: {  	(tag) =	ssettag $0x2  }
0x17d: {  	s0 =	rddreg [dreg:$0x0];
	s2 =	stileid.u32  }
0x17e: {  	s1 =	rddreg [dreg:$0x1];
	p0 =	sne.s32 s2, $0x0  }
0x17f: {  	s3 =	rddreg [dreg:$0x2];
	[bflag:$0x3] =	sbarrier.arrive $0xFFFF;
	s2 =	simm.s32 @!p0 $0x1C03  }
0x180: {  	[timem:s3], [sflag:s2] =	dma.local @!p0 [hbm:s0], s1  }
0x181: {  	s0 =	simm.s32 @!p0 $0x3  }
0x182: {  	_ =	swait.ge @!p0 [sflag:s0], s1  }
0x183: {  	s1 =	ssub.s32 @!p0 $0x0, s1;
	[sflag:s0] =	ssyncset.done @!p0 $0x0  }
0x184: {  	[sflag:s0] =	ssyncadd.s32 @!p0 s1  }
0x185: {  	[bflag:$0x3] =	sbarrier.arrive $0xFFFF  }
0x186: {  	_ =	shalt  }

</sc_bundles>
